<compile_context>
chip_gen: v7x
topology: tpu7x:2x2x1
jax: 0.10.2.dev20260603
libtpu: 0.0.44.dev20260713+nightly
codegen_flags: <defaults>
</compile_context>

<pallas_src>
import jax
import jax.numpy as jnp
from jax import lax
from jax.experimental import pallas as pl
from jax.experimental.pallas import tpu as pltpu
from jax.experimental.pallas import tpu_sc as plsc

N = 10000
D = 128
D_HID = 256
NPAD = 10240
NC = 2
NS = 16
CHUNK = 128
FRAC0 = 0.50
BM = 2000


def _make_spmm(n_rows, e_pad, with_cnt):
  n_total = e_pad // CHUNK
  c0_total = int(round(n_total * FRAC0))
  n0, r0 = divmod(c0_total, NS)
  n1, r1 = divmod(n_total - c0_total, NS)
  n_max = max(n0 + (r0 > 0), n1 + (r1 > 0))
  rps = NPAD // NS

  mesh = plsc.VectorSubcoreMesh(core_axis_name="c", subcore_axis_name="s")
  out_type = [jax.ShapeDtypeStruct((NPAD, D), jnp.float32),
              jax.ShapeDtypeStruct((NPAD, D), jnp.float32)]
  scratch = [
      pltpu.VMEM_SHARED((NPAD, D), jnp.float32),
      pltpu.VMEM((2, CHUNK), jnp.int32),
      pltpu.VMEM((2, CHUNK), jnp.int32),
      pltpu.VMEM((CHUNK, D), jnp.float32),
      pltpu.VMEM((CHUNK, D), jnp.float32),
      pltpu.SemaphoreType.DMA,
      pltpu.SemaphoreType.DMA,
  ]
  if with_cnt:
    out_type.append(jax.ShapeDtypeStruct((NC, NPAD), jnp.float32))
    scratch.append(pltpu.VMEM_SHARED((NPAD,), jnp.float32))
    scratch.append(pltpu.VMEM((CHUNK,), jnp.float32))

  def body(*refs):
    if with_cnt:
      (h_hbm, ei_hbm, zr_hbm, zc_hbm, pa_hbm, pb_hbm, cnt_hbm,
       acc, eidxa, eidxb, rowsa, rowsb, sema, semb, cacc, ones) = refs
    else:
      (h_hbm, ei_hbm, zr_hbm, pa_hbm, pb_hbm,
       acc, eidxa, eidxb, rowsa, rowsb, sema, semb) = refs
    c = lax.axis_index("c")
    s = lax.axis_index("s")
    rbase = pl.multiple_of(s * rps, 8)

    pltpu.sync_copy(zr_hbm, acc.at[pl.ds(rbase, rps)])
    if with_cnt:
      pltpu.sync_copy(zc_hbm, cacc.at[pl.ds(rbase, rps)])

      @pl.loop(0, CHUNK, step=16)
      def _(k):
        ones[pl.ds(k, 16)] = jnp.ones((16,), jnp.float32)

    plsc.subcore_barrier()

    start0 = s * n0 + jnp.minimum(s, r0)
    count0 = n0 + (s < r0).astype(jnp.int32)
    start1 = c0_total + s * n1 + jnp.minimum(s, r1)
    count1 = n1 + (s < r1).astype(jnp.int32)
    base = jnp.where(c == 0, start0, start1) * CHUNK
    nloc = jnp.where(c == 0, count0, count1)

    def load_and_gather(eidx, rows, sem, chunk):
      off = pl.multiple_of(base + chunk * CHUNK, 8)
      pltpu.sync_copy(ei_hbm.at[:, pl.ds(off, CHUNK)], eidx)
      pltpu.async_copy(h_hbm.at[eidx.at[0]], rows, sem)

    def wait_gather(eidx, rows, sem):
      pltpu.make_async_copy(h_hbm.at[eidx.at[0]], rows, sem).wait()

    def scatter(eidx, rows):
      pltpu.sync_copy(rows, acc.at[eidx.at[1]], add=True)
      if with_cnt:
        pltpu.sync_copy(ones, cacc.at[eidx.at[1]], add=True)

    @pl.when(nloc > 0)
    def _():
      load_and_gather(eidxa, rowsa, sema, 0)

    @pl.loop(0, n_max, step=2)
    def _(i):
      @pl.when(i < nloc)
      def _():
        @pl.when(i + 1 < nloc)
        def _():
          load_and_gather(eidxb, rowsb, semb, i + 1)
        wait_gather(eidxa, rowsa, sema)
        scatter(eidxa, rowsa)

        @pl.when(i + 1 < nloc)
        def _():
          @pl.when(i + 2 < nloc)
          def _():
            load_and_gather(eidxa, rowsa, sema, i + 2)
          wait_gather(eidxb, rowsb, semb)
          scatter(eidxb, rowsb)

    plsc.subcore_barrier()

    @pl.when(c == 0)
    def _():
      pltpu.sync_copy(acc.at[pl.ds(rbase, rps)], pa_hbm.at[pl.ds(rbase, rps)])

    @pl.when(c == 1)
    def _():
      pltpu.sync_copy(acc.at[pl.ds(rbase, rps)], pb_hbm.at[pl.ds(rbase, rps)])

    if with_cnt:
      pltpu.sync_copy(cacc.at[pl.ds(rbase, rps)],
                      cnt_hbm.at[c].at[pl.ds(rbase, rps)])

  return pl.kernel(body, out_type=tuple(out_type), mesh=mesh,
                   scratch_types=scratch)


def _dense_body(p0, p1, c0, c1, w1, b1r, w2, out):
  s = p0[...] + p1[...]
  cc = c0[...] + c1[...]
  inv = jnp.where(cc > 0.0, 1.0 / cc, 0.0)
  h = lax.dot_general(s * inv, w1[...], (((1,), (1,)), ((), ())),
                      preferred_element_type=jnp.float32)
  h = jnp.maximum(h + b1r[...], 0.0)
  out[...] = lax.dot_general(h, w2[...], (((1,), (1,)), ((), ())),
                             preferred_element_type=jnp.float32)


def _finish_body(p0, p1, c0, c1, b2r, out):
  s = p0[...] + p1[...]
  cc = c0[...] + c1[...]
  inv = jnp.where(cc > 0.0, 1.0 / cc, 0.0)
  r = s * inv + b2r[...]
  nrm = jnp.sqrt(jnp.sum(r * r, axis=1, keepdims=True))
  out[...] = r / jnp.maximum(nrm, 1e-12)


def _row_specs():
  return [
      pl.BlockSpec((BM, D), lambda i: (i, 0)),
      pl.BlockSpec((BM, D), lambda i: (i, 0)),
      pl.BlockSpec((BM, 1), lambda i: (i, 0)),
      pl.BlockSpec((BM, 1), lambda i: (i, 0)),
  ]


@jax.jit
def kernel(x, edge_index, W1, b1, W2, b2):
  e = edge_index.shape[1]
  e_pad = -(-e // CHUNK) * CHUNK
  if e_pad != e:
    pad = jnp.concatenate(
        [jnp.zeros((1, e_pad - e), jnp.int32),
         jnp.full((1, e_pad - e), N, jnp.int32)])
    edge_index = jnp.concatenate([edge_index, pad], axis=1)
  zr = jnp.zeros((NPAD // NS, D), jnp.float32)
  zc = jnp.zeros((NPAD // NS,), jnp.float32)

  p1a, p1b, cnt = _make_spmm(N, e_pad, True)(x, edge_index, zr, zc)
  c0 = cnt[0][:, None]
  c1 = cnt[1][:, None]

  grid = (N // BM,)
  b = pl.pallas_call(
      _dense_body,
      grid=grid,
      in_specs=_row_specs() + [
          pl.BlockSpec((D_HID, D), lambda i: (0, 0)),
          pl.BlockSpec((1, D_HID), lambda i: (0, 0)),
          pl.BlockSpec((D, D_HID), lambda i: (0, 0)),
      ],
      out_specs=pl.BlockSpec((BM, D), lambda i: (i, 0)),
      out_shape=jax.ShapeDtypeStruct((N, D), jnp.float32),
  )(p1a, p1b, c0, c1, W1, b1[None, :], W2)

  p2a, p2b = _make_spmm(N, e_pad, False)(b, edge_index, zr)

  out = pl.pallas_call(
      _finish_body,
      grid=grid,
      in_specs=_row_specs() + [pl.BlockSpec((1, D), lambda i: (0, 0))],
      out_specs=pl.BlockSpec((BM, D), lambda i: (i, 0)),
      out_shape=jax.ShapeDtypeStruct((N, D), jnp.float32),
  )(p2a, p2b, c0, c1, b2[None, :])
  return out

# --- scband reference (transcript-rebuilt; emitter-appended) ---
"""Pipeline reference for scband-gcn-7516192768198 (READ-ONLY COPY).

The authoritative reference and input builder live on the scoring server;
editing this copy changes nothing except your own understanding.
"""

import jax, jax.numpy as jnp
import numpy as np

N = 10000
E = 320000
D_IN = 128
D_HID = 256
D_OUT = 128


def setup_inputs(seed: int = 0) -> dict:
    key = jax.random.key(seed)
    k1, k2, k3, k4 = jax.random.split(key, 4)
    x = jax.random.normal(k1, (N, D_IN), dtype=jnp.float32)
    edge_index = jax.random.randint(k2, (2, E), 0, N, dtype=jnp.int32)
    W1 = jax.random.normal(k3, (D_HID, D_IN), dtype=jnp.float32) * 0.05
    b1 = jnp.zeros((D_HID,), dtype=jnp.float32)
    W2 = jax.random.normal(k4, (D_OUT, D_HID), dtype=jnp.float32) * 0.05
    b2 = jnp.zeros((D_OUT,), dtype=jnp.float32)
    return {"x": x, "edge_index": edge_index, "W1": W1, "b1": b1, "W2": W2, "b2": b2}


def reference(x, edge_index, W1, b1, W2, b2):
    # adj is COO with ones at (row, col). normt_spm(method='in') transposes then
    # row-normalizes: normalized entry lives at (col, row) with value 1/indeg(col),
    # where indeg(c) = number of edges whose col == c.
    row = edge_index[0]
    col = edge_index[1]
    cnt = jnp.zeros((N,), dtype=jnp.float32).at[col].add(1.0)
    inv = jnp.where(cnt > 0, 1.0 / cnt, 0.0)  # isinf -> 0 handling
    vals = inv[col]

    def spmm(h):
        # out[c] += vals_e * h[r] for each edge e=(r, c)
        gathered = h[row] * vals[:, None]
        return jnp.zeros((N, h.shape[1]), dtype=h.dtype).at[col].add(gathered)

    # GraphConv 1: linear -> spmm -> bias -> relu
    h = x @ W1.T
    h = spmm(h) + b1
    h = jax.nn.relu(h)
    # GraphConv last: linear -> spmm -> bias (no relu)
    h = h @ W2.T
    h = spmm(h) + b2
    # F.normalize: L2 row normalization with eps=1e-12
    norm = jnp.sqrt(jnp.sum(h * h, axis=1, keepdims=True))
    return h / jnp.clip(norm, 1e-12)

if __name__ == "__main__":
    import jax
    _d = setup_inputs()
    print(jax.jit(kernel)(*tuple(_d.values())))

</pallas_src>

<mosaic_0001>
#map = affine_map<(d0, d1) -> (0, 0)>
module attributes {stable_mosaic.version = 14 : i64} {
  func.func @body(%arg0: i32, %arg1: i32, %arg2: memref<10000x128xf32, #tpu.memory_space<hbm>>, %arg3: memref<2x320000xi32, #tpu.memory_space<hbm>>, %arg4: memref<640x128xf32, #tpu.memory_space<hbm>>, %arg5: memref<10240x128xf32, #tpu.memory_space<hbm>>, %arg6: memref<10240x128xf32, #tpu.memory_space<hbm>>, %arg7: memref<10240x128xf32, #tpu.memory_space<vmem_shared>>, %arg8: memref<2x128xi32, #tpu.memory_space<vmem>>, %arg9: memref<2x128xi32, #tpu.memory_space<vmem>>, %arg10: memref<128x128xf32, #tpu.memory_space<vmem>>, %arg11: memref<128x128xf32, #tpu.memory_space<vmem>>, %arg12: memref<!tpu.dma_semaphore, #tpu.memory_space<semaphore_mem>>, %arg13: memref<!tpu.dma_semaphore, #tpu.memory_space<semaphore_mem>>) attributes {dimension_semantics = [#tpu.dimension_semantics<core_parallel>, #tpu.dimension_semantics<subcore_parallel>], iteration_bounds = array<i64: 2, 16>, scalar_prefetch = 0 : i64, scratch_operands = 7 : i64, tpu.core_type = #tpu.core_type<sc_vector_subcore>, window_params = [{transform_indices = #map}, {transform_indices = #map}, {transform_indices = #map}, {transform_indices = #map}, {transform_indices = #map}]} {
    %mul3A = arith.constant 640 : i32
    %mul3A_0 = arith.muli %arg1, %mul3A : i32
    %multiple_of3A = tpu.assume_multiple %mul3A_0, 8 : i32
    "tpu.region"() ({
      %run_scoped3A = tpu.sem_alloc : memref<!tpu.dma_semaphore, #tpu.memory_space<semaphore_mem>>
      %dma_start3A = arith.constant 0 : i32
      %dma_start3A_43 = tpu.memref_slice %arg7[%multiple_of3A, %dma_start3A] : memref<10240x128xf32, #tpu.memory_space<vmem_shared>> -> memref<640x128xf32, #tpu.memory_space<vmem_shared>>
      tpu.enqueue_dma source(%arg4 : memref<640x128xf32, #tpu.memory_space<hbm>>) target(%dma_start3A_43 : memref<640x128xf32, #tpu.memory_space<vmem_shared>>) target_semaphore(%run_scoped3A : memref<!tpu.dma_semaphore, #tpu.memory_space<semaphore_mem>>)
      %dma_wait3A = arith.constant 0 : i32
      %dma_wait3A_44 = tpu.memref_slice %arg7[%multiple_of3A, %dma_wait3A] : memref<10240x128xf32, #tpu.memory_space<vmem_shared>> -> memref<640x128xf32, #tpu.memory_space<vmem_shared>>
      tpu.wait_dma2 semaphore(%run_scoped3A : memref<!tpu.dma_semaphore, #tpu.memory_space<semaphore_mem>>) src(%arg4 : memref<640x128xf32, #tpu.memory_space<hbm>>) dst(%dma_wait3A_44 : memref<640x128xf32, #tpu.memory_space<vmem_shared>>)
      tpu.yield
    }) : () -> ()
    %barrier3A = arith.constant 0 : index
    tpu.barrier barrier_id(%barrier3A)
    %mul3A_1 = arith.constant 78 : i32
    %mul3A_2 = arith.muli %arg1, %mul3A_1 : i32
    %min3A = arith.constant 2 : i32
    %min3A_3 = arith.minsi %arg1, %min3A : i32
    %add3A = arith.addi %mul3A_2, %min3A_3 : i32
    %lt3A = arith.constant 2 : i32
    %lt3A_4 = arith.cmpi slt, %arg1, %lt3A : i32
    %convert_element_type3A = arith.extui %lt3A_4 : i1 to i32
    %add3A_5 = arith.constant 78 : i32
    %add3A_6 = arith.addi %add3A_5, %convert_element_type3A : i32
    %mul3A_7 = arith.constant 78 : i32
    %mul3A_8 = arith.muli %arg1, %mul3A_7 : i32
    %add3A_9 = arith.constant 1250 : i32
    %add3A_10 = arith.addi %add3A_9, %mul3A_8 : i32
    %min3A_11 = arith.constant 2 : i32
    %min3A_12 = arith.minsi %arg1, %min3A_11 : i32
    %add3A_13 = arith.addi %add3A_10, %min3A_12 : i32
    %lt3A_14 = arith.constant 2 : i32
    %lt3A_15 = arith.cmpi slt, %arg1, %lt3A_14 : i32
    %convert_element_type3A_16 = arith.extui %lt3A_15 : i1 to i32
    %add3A_17 = arith.constant 78 : i32
    %add3A_18 = arith.addi %add3A_17, %convert_element_type3A_16 : i32
    %eq3A = arith.constant 0 : i32
    %eq3A_19 = arith.cmpi eq, %arg0, %eq3A : i32
    %select_n3A = arith.select %eq3A_19, %add3A, %add3A_13 : i32
    %mul3A_20 = arith.constant 128 : i32
    %mul3A_21 = arith.muli %select_n3A, %mul3A_20 : i32
    %eq3A_22 = arith.constant 0 : i32
    %eq3A_23 = arith.cmpi eq, %arg0, %eq3A_22 : i32
    %select_n3A_24 = arith.select %eq3A_23, %add3A_6, %add3A_18 : i32
    %gt3A = arith.constant 0 : i32
    %gt3A_25 = arith.cmpi sgt, %select_n3A_24, %gt3A : i32
    %convert_element_type3A_26 = arith.extui %gt3A_25 : i1 to i32
    %cond3A = arith.constant 0 : i32
    %cond3A_27 = arith.cmpi ne, %convert_element_type3A_26, %cond3A : i32
    scf.if %cond3A_27 {
      %add3A_43 = arith.constant 0 : i32
      %add3A_44 = arith.addi %mul3A_21, %add3A_43 : i32
      %multiple_of3A_45 = tpu.assume_multiple %add3A_44, 8 : i32
      "tpu.region"() ({
        %run_scoped3A = tpu.sem_alloc : memref<!tpu.dma_semaphore, #tpu.memory_space<semaphore_mem>>
        %dma_start3A_52 = arith.constant 0 : i32
        %dma_start3A_53 = tpu.memref_slice %arg3[%dma_start3A_52, %multiple_of3A_45] : memref<2x320000xi32, #tpu.memory_space<hbm>> -> memref<2x128xi32, #tpu.memory_space<hbm>>
        %dma_start3A_54 = arith.constant 0 : i32
        %dma_start3A_55 = tpu.memref_slice %arg3[%dma_start3A_54, %multiple_of3A_45] : memref<2x320000xi32, #tpu.memory_space<hbm>> -> memref<2x128xi32, #tpu.memory_space<hbm>>
        tpu.enqueue_dma source(%dma_start3A_55 : memref<2x128xi32, #tpu.memory_space<hbm>>) target(%arg8 : memref<2x128xi32, #tpu.memory_space<vmem>>) target_semaphore(%run_scoped3A : memref<!tpu.dma_semaphore, #tpu.memory_space<semaphore_mem>>)
        %dma_wait3A = arith.constant 0 : i32
        %dma_wait3A_56 = tpu.memref_slice %arg3[%dma_wait3A, %multiple_of3A_45] : memref<2x320000xi32, #tpu.memory_space<hbm>> -> memref<2x128xi32, #tpu.memory_space<hbm>>
        %dma_wait3A_57 = arith.constant 0 : i32
        %dma_wait3A_58 = tpu.memref_slice %arg3[%dma_wait3A_57, %multiple_of3A_45] : memref<2x320000xi32, #tpu.memory_space<hbm>> -> memref<2x128xi32, #tpu.memory_space<hbm>>
        tpu.wait_dma2 semaphore(%run_scoped3A : memref<!tpu.dma_semaphore, #tpu.memory_space<semaphore_mem>>) src(%dma_wait3A_58 : memref<2x128xi32, #tpu.memory_space<hbm>>) dst(%arg8 : memref<2x128xi32, #tpu.memory_space<vmem>>)
        tpu.yield
      }) : () -> ()
      %dma_start3A = arith.constant 0 : i32
      %dma_start3A_46 = arith.constant 0 : i32
      %dma_start3A_47 = tpu.memref_slice %arg8[%dma_start3A, %dma_start3A_46] : memref<2x128xi32, #tpu.memory_space<vmem>> -> memref<1x128xi32, #tpu.memory_space<vmem>>
      %dma_start3A_48 = tpu.memref_squeeze %dma_start3A_47 : memref<1x128xi32, #tpu.memory_space<vmem>> -> memref<128xi32, #tpu.memory_space<vmem>>
      %dma_start3A_49 = arith.constant 0 : i32
      %dma_start3A_50 = arith.constant 0 : i32
      %dma_start3A_51 = tpu.memref_slice %arg2[%dma_start3A_49, %dma_start3A_50] : memref<10000x128xf32, #tpu.memory_space<hbm>> -> memref<10000x128xf32, #tpu.memory_space<hbm>>
      tpu.enqueue_indirect_dma source(%dma_start3A_51 : memref<10000x128xf32, #tpu.memory_space<hbm>>) target(%arg10 : memref<128x128xf32, #tpu.memory_space<vmem>>) offsets(%dma_start3A_48 : memref<128xi32, #tpu.memory_space<vmem>>) semaphore(%arg12 : memref<!tpu.dma_semaphore, #tpu.memory_space<semaphore_mem>>)
    } else {
    }
    %scan3A = arith.constant 0 : i32
    %scan3A_28 = arith.constant 40 : i32
    %scan3A_29 = arith.addi %scan3A, %scan3A_28 : i32
    %scan3A_30 = arith.constant 1 : i32
    scf.for %scan3A_43 = %scan3A to %scan3A_29 step %scan3A_30  : i32 {
      %mul3A_44 = arith.constant 2 : i32
      %mul3A_45 = arith.muli %scan3A_43, %mul3A_44 : i32
      %add3A_46 = arith.constant 0 : i32
      %add3A_47 = arith.addi %add3A_46, %mul3A_45 : i32
      %lt3A_48 = arith.cmpi slt, %add3A_47, %select_n3A_24 : i32
      %convert_element_type3A_49 = arith.extui %lt3A_48 : i1 to i32
      %cond3A_50 = arith.constant 0 : i32
      %cond3A_51 = arith.cmpi ne, %convert_element_type3A_49, %cond3A_50 : i32
      scf.if %cond3A_51 {
        %add3A_52 = arith.constant 1 : i32
        %add3A_53 = arith.addi %add3A_47, %add3A_52 : i32
        %lt3A_54 = arith.cmpi slt, %add3A_53, %select_n3A_24 : i32
        %convert_element_type3A_55 = arith.extui %lt3A_54 : i1 to i32
        %cond3A_56 = arith.constant 0 : i32
        %cond3A_57 = arith.cmpi ne, %convert_element_type3A_55, %cond3A_56 : i32
        scf.if %cond3A_57 {
          %add3A_70 = arith.constant 1 : i32
          %add3A_71 = arith.addi %add3A_47, %add3A_70 : i32
          %mul3A_72 = arith.constant 128 : i32
          %mul3A_73 = arith.muli %add3A_71, %mul3A_72 : i32
          %add3A_74 = arith.addi %mul3A_21, %mul3A_73 : i32
          %multiple_of3A_75 = tpu.assume_multiple %add3A_74, 8 : i32
          "tpu.region"() ({
            %run_scoped3A_82 = tpu.sem_alloc : memref<!tpu.dma_semaphore, #tpu.memory_space<semaphore_mem>>
            %dma_start3A_83 = arith.constant 0 : i32
            %dma_start3A_84 = tpu.memref_slice %arg3[%dma_start3A_83, %multiple_of3A_75] : memref<2x320000xi32, #tpu.memory_space<hbm>> -> memref<2x128xi32, #tpu.memory_space<hbm>>
            %dma_start3A_85 = arith.constant 0 : i32
            %dma_start3A_86 = tpu.memref_slice %arg3[%dma_start3A_85, %multiple_of3A_75] : memref<2x320000xi32, #tpu.memory_space<hbm>> -> memref<2x128xi32, #tpu.memory_space<hbm>>
            tpu.enqueue_dma source(%dma_start3A_86 : memref<2x128xi32, #tpu.memory_space<hbm>>) target(%arg9 : memref<2x128xi32, #tpu.memory_space<vmem>>) target_semaphore(%run_scoped3A_82 : memref<!tpu.dma_semaphore, #tpu.memory_space<semaphore_mem>>)
            %dma_wait3A_87 = arith.constant 0 : i32
            %dma_wait3A_88 = tpu.memref_slice %arg3[%dma_wait3A_87, %multiple_of3A_75] : memref<2x320000xi32, #tpu.memory_space<hbm>> -> memref<2x128xi32, #tpu.memory_space<hbm>>
            %dma_wait3A_89 = arith.constant 0 : i32
            %dma_wait3A_90 = tpu.memref_slice %arg3[%dma_wait3A_89, %multiple_of3A_75] : memref<2x320000xi32, #tpu.memory_space<hbm>> -> memref<2x128xi32, #tpu.memory_space<hbm>>
            tpu.wait_dma2 semaphore(%run_scoped3A_82 : memref<!tpu.dma_semaphore, #tpu.memory_space<semaphore_mem>>) src(%dma_wait3A_90 : memref<2x128xi32, #tpu.memory_space<hbm>>) dst(%arg9 : memref<2x128xi32, #tpu.memory_space<vmem>>)
            tpu.yield
          }) : () -> ()
          %dma_start3A = arith.constant 0 : i32
          %dma_start3A_76 = arith.constant 0 : i32
          %dma_start3A_77 = tpu.memref_slice %arg9[%dma_start3A, %dma_start3A_76] : memref<2x128xi32, #tpu.memory_space<vmem>> -> memref<1x128xi32, #tpu.memory_space<vmem>>
          %dma_start3A_78 = tpu.memref_squeeze %dma_start3A_77 : memref<1x128xi32, #tpu.memory_space<vmem>> -> memref<128xi32, #tpu.memory_space<vmem>>
          %dma_start3A_79 = arith.constant 0 : i32
          %dma_start3A_80 = arith.constant 0 : i32
          %dma_start3A_81 = tpu.memref_slice %arg2[%dma_start3A_79, %dma_start3A_80] : memref<10000x128xf32, #tpu.memory_space<hbm>> -> memref<10000x128xf32, #tpu.memory_space<hbm>>
          tpu.enqueue_indirect_dma source(%dma_start3A_81 : memref<10000x128xf32, #tpu.memory_space<hbm>>) target(%arg11 : memref<128x128xf32, #tpu.memory_space<vmem>>) offsets(%dma_start3A_78 : memref<128xi32, #tpu.memory_space<vmem>>) semaphore(%arg13 : memref<!tpu.dma_semaphore, #tpu.memory_space<semaphore_mem>>)
        } else {
        }
        %dma_wait3A = arith.constant 0 : i32
        %dma_wait3A_58 = arith.constant 0 : i32
        %dma_wait3A_59 = tpu.memref_slice %arg8[%dma_wait3A, %dma_wait3A_58] : memref<2x128xi32, #tpu.memory_space<vmem>> -> memref<1x128xi32, #tpu.memory_space<vmem>>
        %dma_wait3A_60 = tpu.memref_squeeze %dma_wait3A_59 : memref<1x128xi32, #tpu.memory_space<vmem>> -> memref<128xi32, #tpu.memory_space<vmem>>
        %dma_wait3A_61 = arith.constant 0 : i32
        %dma_wait3A_62 = arith.constant 0 : i32
        %dma_wait3A_63 = tpu.memref_slice %arg2[%dma_wait3A_61, %dma_wait3A_62] : memref<10000x128xf32, #tpu.memory_space<hbm>> -> memref<10000x128xf32, #tpu.memory_space<hbm>>
        tpu.wait_indirect_dma semaphore(%arg12 : memref<!tpu.dma_semaphore, #tpu.memory_space<semaphore_mem>>) src(%dma_wait3A_63 : memref<10000x128xf32, #tpu.memory_space<hbm>>) dst(%arg10 : memref<128x128xf32, #tpu.memory_space<vmem>>)
        %run_scoped3A = arith.constant 1 : i32
        "tpu.region"() ({
          %run_scoped3A_70 = tpu.sem_alloc : memref<!tpu.dma_semaphore, #tpu.memory_space<semaphore_mem>>
          %dma_start3A = arith.constant 0 : i32
          %dma_start3A_71 = tpu.memref_slice %arg8[%run_scoped3A, %dma_start3A] : memref<2x128xi32, #tpu.memory_space<vmem>> -> memref<1x128xi32, #tpu.memory_space<vmem>>
          %dma_start3A_72 = tpu.memref_squeeze %dma_start3A_71 : memref<1x128xi32, #tpu.memory_space<vmem>> -> memref<128xi32, #tpu.memory_space<vmem>>
          %dma_start3A_73 = arith.constant 0 : i32
          %dma_start3A_74 = arith.constant 0 : i32
          %dma_start3A_75 = tpu.memref_slice %arg7[%dma_start3A_73, %dma_start3A_74] : memref<10240x128xf32, #tpu.memory_space<vmem_shared>> -> memref<10240x128xf32, #tpu.memory_space<vmem_shared>>
          tpu.enqueue_indirect_dma source(%arg10 : memref<128x128xf32, #tpu.memory_space<vmem>>) target(%dma_start3A_75 : memref<10240x128xf32, #tpu.memory_space<vmem_shared>>) offsets(%dma_start3A_72 : memref<128xi32, #tpu.memory_space<vmem>>) semaphore(%run_scoped3A_70 : memref<!tpu.dma_semaphore, #tpu.memory_space<semaphore_mem>>) {add = true}
          %dma_wait3A_76 = arith.constant 0 : i32
          %dma_wait3A_77 = tpu.memref_slice %arg8[%run_scoped3A, %dma_wait3A_76] : memref<2x128xi32, #tpu.memory_space<vmem>> -> memref<1x128xi32, #tpu.memory_space<vmem>>
          %dma_wait3A_78 = tpu.memref_squeeze %dma_wait3A_77 : memref<1x128xi32, #tpu.memory_space<vmem>> -> memref<128xi32, #tpu.memory_space<vmem>>
          %dma_wait3A_79 = arith.constant 0 : i32
          %dma_wait3A_80 = arith.constant 0 : i32
          %dma_wait3A_81 = tpu.memref_slice %arg7[%dma_wait3A_79, %dma_wait3A_80] : memref<10240x128xf32, #tpu.memory_space<vmem_shared>> -> memref<10240x128xf32, #tpu.memory_space<vmem_shared>>
          tpu.wait_indirect_dma semaphore(%run_scoped3A_70 : memref<!tpu.dma_semaphore, #tpu.memory_space<semaphore_mem>>) src(%arg10 : memref<128x128xf32, #tpu.memory_space<vmem>>) dst(%dma_wait3A_81 : memref<10240x128xf32, #tpu.memory_space<vmem_shared>>)
          tpu.yield
        }) : () -> ()
        %add3A_64 = arith.constant 1 : i32
        %add3A_65 = arith.addi %add3A_47, %add3A_64 : i32
        %lt3A_66 = arith.cmpi slt, %add3A_65, %select_n3A_24 : i32
        %convert_element_type3A_67 = arith.extui %lt3A_66 : i1 to i32
        %cond3A_68 = arith.constant 0 : i32
        %cond3A_69 = arith.cmpi ne, %convert_element_type3A_67, %cond3A_68 : i32
        scf.if %cond3A_69 {
          %add3A_70 = arith.constant 2 : i32
          %add3A_71 = arith.addi %add3A_47, %add3A_70 : i32
          %lt3A_72 = arith.cmpi slt, %add3A_71, %select_n3A_24 : i32
          %convert_element_type3A_73 = arith.extui %lt3A_72 : i1 to i32
          %cond3A_74 = arith.constant 0 : i32
          %cond3A_75 = arith.cmpi ne, %convert_element_type3A_73, %cond3A_74 : i32
          scf.if %cond3A_75 {
            %add3A_84 = arith.constant 2 : i32
            %add3A_85 = arith.addi %add3A_47, %add3A_84 : i32
            %mul3A_86 = arith.constant 128 : i32
            %mul3A_87 = arith.muli %add3A_85, %mul3A_86 : i32
            %add3A_88 = arith.addi %mul3A_21, %mul3A_87 : i32
            %multiple_of3A_89 = tpu.assume_multiple %add3A_88, 8 : i32
            "tpu.region"() ({
              %run_scoped3A_96 = tpu.sem_alloc : memref<!tpu.dma_semaphore, #tpu.memory_space<semaphore_mem>>
              %dma_start3A_97 = arith.constant 0 : i32
              %dma_start3A_98 = tpu.memref_slice %arg3[%dma_start3A_97, %multiple_of3A_89] : memref<2x320000xi32, #tpu.memory_space<hbm>> -> memref<2x128xi32, #tpu.memory_space<hbm>>
              %dma_start3A_99 = arith.constant 0 : i32
              %dma_start3A_100 = tpu.memref_slice %arg3[%dma_start3A_99, %multiple_of3A_89] : memref<2x320000xi32, #tpu.memory_space<hbm>> -> memref<2x128xi32, #tpu.memory_space<hbm>>
              tpu.enqueue_dma source(%dma_start3A_100 : memref<2x128xi32, #tpu.memory_space<hbm>>) target(%arg8 : memref<2x128xi32, #tpu.memory_space<vmem>>) target_semaphore(%run_scoped3A_96 : memref<!tpu.dma_semaphore, #tpu.memory_space<semaphore_mem>>)
              %dma_wait3A_101 = arith.constant 0 : i32
              %dma_wait3A_102 = tpu.memref_slice %arg3[%dma_wait3A_101, %multiple_of3A_89] : memref<2x320000xi32, #tpu.memory_space<hbm>> -> memref<2x128xi32, #tpu.memory_space<hbm>>
              %dma_wait3A_103 = arith.constant 0 : i32
              %dma_wait3A_104 = tpu.memref_slice %arg3[%dma_wait3A_103, %multiple_of3A_89] : memref<2x320000xi32, #tpu.memory_space<hbm>> -> memref<2x128xi32, #tpu.memory_space<hbm>>
              tpu.wait_dma2 semaphore(%run_scoped3A_96 : memref<!tpu.dma_semaphore, #tpu.memory_space<semaphore_mem>>) src(%dma_wait3A_104 : memref<2x128xi32, #tpu.memory_space<hbm>>) dst(%arg8 : memref<2x128xi32, #tpu.memory_space<vmem>>)
              tpu.yield
            }) : () -> ()
            %dma_start3A = arith.constant 0 : i32
            %dma_start3A_90 = arith.constant 0 : i32
            %dma_start3A_91 = tpu.memref_slice %arg8[%dma_start3A, %dma_start3A_90] : memref<2x128xi32, #tpu.memory_space<vmem>> -> memref<1x128xi32, #tpu.memory_space<vmem>>
            %dma_start3A_92 = tpu.memref_squeeze %dma_start3A_91 : memref<1x128xi32, #tpu.memory_space<vmem>> -> memref<128xi32, #tpu.memory_space<vmem>>
            %dma_start3A_93 = arith.constant 0 : i32
            %dma_start3A_94 = arith.constant 0 : i32
            %dma_start3A_95 = tpu.memref_slice %arg2[%dma_start3A_93, %dma_start3A_94] : memref<10000x128xf32, #tpu.memory_space<hbm>> -> memref<10000x128xf32, #tpu.memory_space<hbm>>
            tpu.enqueue_indirect_dma source(%dma_start3A_95 : memref<10000x128xf32, #tpu.memory_space<hbm>>) target(%arg10 : memref<128x128xf32, #tpu.memory_space<vmem>>) offsets(%dma_start3A_92 : memref<128xi32, #tpu.memory_space<vmem>>) semaphore(%arg12 : memref<!tpu.dma_semaphore, #tpu.memory_space<semaphore_mem>>)
          } else {
          }
          %dma_wait3A_76 = arith.constant 0 : i32
          %dma_wait3A_77 = arith.constant 0 : i32
          %dma_wait3A_78 = tpu.memref_slice %arg9[%dma_wait3A_76, %dma_wait3A_77] : memref<2x128xi32, #tpu.memory_space<vmem>> -> memref<1x128xi32, #tpu.memory_space<vmem>>
          %dma_wait3A_79 = tpu.memref_squeeze %dma_wait3A_78 : memref<1x128xi32, #tpu.memory_space<vmem>> -> memref<128xi32, #tpu.memory_space<vmem>>
          %dma_wait3A_80 = arith.constant 0 : i32
          %dma_wait3A_81 = arith.constant 0 : i32
          %dma_wait3A_82 = tpu.memref_slice %arg2[%dma_wait3A_80, %dma_wait3A_81] : memref<10000x128xf32, #tpu.memory_space<hbm>> -> memref<10000x128xf32, #tpu.memory_space<hbm>>
          tpu.wait_indirect_dma semaphore(%arg13 : memref<!tpu.dma_semaphore, #tpu.memory_space<semaphore_mem>>) src(%dma_wait3A_82 : memref<10000x128xf32, #tpu.memory_space<hbm>>) dst(%arg11 : memref<128x128xf32, #tpu.memory_space<vmem>>)
          %run_scoped3A_83 = arith.constant 1 : i32
          "tpu.region"() ({
            %run_scoped3A_84 = tpu.sem_alloc : memref<!tpu.dma_semaphore, #tpu.memory_space<semaphore_mem>>
            %dma_start3A = arith.constant 0 : i32
            %dma_start3A_85 = tpu.memref_slice %arg9[%run_scoped3A_83, %dma_start3A] : memref<2x128xi32, #tpu.memory_space<vmem>> -> memref<1x128xi32, #tpu.memory_space<vmem>>
            %dma_start3A_86 = tpu.memref_squeeze %dma_start3A_85 : memref<1x128xi32, #tpu.memory_space<vmem>> -> memref<128xi32, #tpu.memory_space<vmem>>
            %dma_start3A_87 = arith.constant 0 : i32
            %dma_start3A_88 = arith.constant 0 : i32
            %dma_start3A_89 = tpu.memref_slice %arg7[%dma_start3A_87, %dma_start3A_88] : memref<10240x128xf32, #tpu.memory_space<vmem_shared>> -> memref<10240x128xf32, #tpu.memory_space<vmem_shared>>
            tpu.enqueue_indirect_dma source(%arg11 : memref<128x128xf32, #tpu.memory_space<vmem>>) target(%dma_start3A_89 : memref<10240x128xf32, #tpu.memory_space<vmem_shared>>) offsets(%dma_start3A_86 : memref<128xi32, #tpu.memory_space<vmem>>) semaphore(%run_scoped3A_84 : memref<!tpu.dma_semaphore, #tpu.memory_space<semaphore_mem>>) {add = true}
            %dma_wait3A_90 = arith.constant 0 : i32
            %dma_wait3A_91 = tpu.memref_slice %arg9[%run_scoped3A_83, %dma_wait3A_90] : memref<2x128xi32, #tpu.memory_space<vmem>> -> memref<1x128xi32, #tpu.memory_space<vmem>>
            %dma_wait3A_92 = tpu.memref_squeeze %dma_wait3A_91 : memref<1x128xi32, #tpu.memory_space<vmem>> -> memref<128xi32, #tpu.memory_space<vmem>>
            %dma_wait3A_93 = arith.constant 0 : i32
            %dma_wait3A_94 = arith.constant 0 : i32
            %dma_wait3A_95 = tpu.memref_slice %arg7[%dma_wait3A_93, %dma_wait3A_94] : memref<10240x128xf32, #tpu.memory_space<vmem_shared>> -> memref<10240x128xf32, #tpu.memory_space<vmem_shared>>
            tpu.wait_indirect_dma semaphore(%run_scoped3A_84 : memref<!tpu.dma_semaphore, #tpu.memory_space<semaphore_mem>>) src(%arg11 : memref<128x128xf32, #tpu.memory_space<vmem>>) dst(%dma_wait3A_95 : memref<10240x128xf32, #tpu.memory_space<vmem_shared>>)
            tpu.yield
          }) : () -> ()
        } else {
        }
      } else {
      }
    }
    %scan3A_31 = arith.constant 40 : i32
    %barrier3A_32 = arith.constant 0 : index
    tpu.barrier barrier_id(%barrier3A_32)
    %eq3A_33 = arith.constant 0 : i32
    %eq3A_34 = arith.cmpi eq, %arg0, %eq3A_33 : i32
    %convert_element_type3A_35 = arith.extui %eq3A_34 : i1 to i32
    %cond3A_36 = arith.constant 0 : i32
    %cond3A_37 = arith.cmpi ne, %convert_element_type3A_35, %cond3A_36 : i32
    scf.if %cond3A_37 {
      "tpu.region"() ({
        %run_scoped3A = tpu.sem_alloc : memref<!tpu.dma_semaphore, #tpu.memory_space<semaphore_mem>>
        %dma_start3A = arith.constant 0 : i32
        %dma_start3A_43 = tpu.memref_slice %arg5[%multiple_of3A, %dma_start3A] : memref<10240x128xf32, #tpu.memory_space<hbm>> -> memref<640x128xf32, #tpu.memory_space<hbm>>
        %dma_start3A_44 = arith.constant 0 : i32
        %dma_start3A_45 = tpu.memref_slice %arg7[%multiple_of3A, %dma_start3A_44] : memref<10240x128xf32, #tpu.memory_space<vmem_shared>> -> memref<640x128xf32, #tpu.memory_space<vmem_shared>>
        tpu.enqueue_dma source(%dma_start3A_45 : memref<640x128xf32, #tpu.memory_space<vmem_shared>>) target(%dma_start3A_43 : memref<640x128xf32, #tpu.memory_space<hbm>>) target_semaphore(%run_scoped3A : memref<!tpu.dma_semaphore, #tpu.memory_space<semaphore_mem>>)
        %dma_wait3A = arith.constant 0 : i32
        %dma_wait3A_46 = tpu.memref_slice %arg5[%multiple_of3A, %dma_wait3A] : memref<10240x128xf32, #tpu.memory_space<hbm>> -> memref<640x128xf32, #tpu.memory_space<hbm>>
        %dma_wait3A_47 = arith.constant 0 : i32
        %dma_wait3A_48 = tpu.memref_slice %arg7[%multiple_of3A, %dma_wait3A_47] : memref<10240x128xf32, #tpu.memory_space<vmem_shared>> -> memref<640x128xf32, #tpu.memory_space<vmem_shared>>
        tpu.wait_dma2 semaphore(%run_scoped3A : memref<!tpu.dma_semaphore, #tpu.memory_space<semaphore_mem>>) src(%dma_wait3A_48 : memref<640x128xf32, #tpu.memory_space<vmem_shared>>) dst(%dma_wait3A_46 : memref<640x128xf32, #tpu.memory_space<hbm>>)
        tpu.yield
      }) : () -> ()
    } else {
    }
    %eq3A_38 = arith.constant 1 : i32
    %eq3A_39 = arith.cmpi eq, %arg0, %eq3A_38 : i32
    %convert_element_type3A_40 = arith.extui %eq3A_39 : i1 to i32
    %cond3A_41 = arith.constant 0 : i32
    %cond3A_42 = arith.cmpi ne, %convert_element_type3A_40, %cond3A_41 : i32
    scf.if %cond3A_42 {
      "tpu.region"() ({
        %run_scoped3A = tpu.sem_alloc : memref<!tpu.dma_semaphore, #tpu.memory_space<semaphore_mem>>
        %dma_start3A = arith.constant 0 : i32
        %dma_start3A_43 = tpu.memref_slice %arg6[%multiple_of3A, %dma_start3A] : memref<10240x128xf32, #tpu.memory_space<hbm>> -> memref<640x128xf32, #tpu.memory_space<hbm>>
        %dma_start3A_44 = arith.constant 0 : i32
        %dma_start3A_45 = tpu.memref_slice %arg7[%multiple_of3A, %dma_start3A_44] : memref<10240x128xf32, #tpu.memory_space<vmem_shared>> -> memref<640x128xf32, #tpu.memory_space<vmem_shared>>
        tpu.enqueue_dma source(%dma_start3A_45 : memref<640x128xf32, #tpu.memory_space<vmem_shared>>) target(%dma_start3A_43 : memref<640x128xf32, #tpu.memory_space<hbm>>) target_semaphore(%run_scoped3A : memref<!tpu.dma_semaphore, #tpu.memory_space<semaphore_mem>>)
        %dma_wait3A = arith.constant 0 : i32
        %dma_wait3A_46 = tpu.memref_slice %arg6[%multiple_of3A, %dma_wait3A] : memref<10240x128xf32, #tpu.memory_space<hbm>> -> memref<640x128xf32, #tpu.memory_space<hbm>>
        %dma_wait3A_47 = arith.constant 0 : i32
        %dma_wait3A_48 = tpu.memref_slice %arg7[%multiple_of3A, %dma_wait3A_47] : memref<10240x128xf32, #tpu.memory_space<vmem_shared>> -> memref<640x128xf32, #tpu.memory_space<vmem_shared>>
        tpu.wait_dma2 semaphore(%run_scoped3A : memref<!tpu.dma_semaphore, #tpu.memory_space<semaphore_mem>>) src(%dma_wait3A_48 : memref<640x128xf32, #tpu.memory_space<vmem_shared>>) dst(%dma_wait3A_46 : memref<640x128xf32, #tpu.memory_space<hbm>>)
        tpu.yield
      }) : () -> ()
    } else {
    }
    return
  }
}

#map = affine_map<(d0, d1) -> (0, 0)>
#map1 = affine_map<(d0, d1) -> (0)>
module attributes {stable_mosaic.version = 14 : i64} {
  func.func @body(%arg0: i32, %arg1: i32, %arg2: memref<10000x128xf32, #tpu.memory_space<hbm>>, %arg3: memref<2x320000xi32, #tpu.memory_space<hbm>>, %arg4: memref<640x128xf32, #tpu.memory_space<hbm>>, %arg5: memref<640xf32, #tpu.memory_space<hbm>>, %arg6: memref<10240x128xf32, #tpu.memory_space<hbm>>, %arg7: memref<10240x128xf32, #tpu.memory_space<hbm>>, %arg8: memref<2x10240xf32, #tpu.memory_space<hbm>>, %arg9: memref<10240x128xf32, #tpu.memory_space<vmem_shared>>, %arg10: memref<2x128xi32, #tpu.memory_space<vmem>>, %arg11: memref<2x128xi32, #tpu.memory_space<vmem>>, %arg12: memref<128x128xf32, #tpu.memory_space<vmem>>, %arg13: memref<128x128xf32, #tpu.memory_space<vmem>>, %arg14: memref<!tpu.dma_semaphore, #tpu.memory_space<semaphore_mem>>, %arg15: memref<!tpu.dma_semaphore, #tpu.memory_space<semaphore_mem>>, %arg16: memref<10240xf32, #tpu.memory_space<vmem_shared>>, %arg17: memref<128xf32, #tpu.memory_space<vmem>>) attributes {dimension_semantics = [#tpu.dimension_semantics<core_parallel>, #tpu.dimension_semantics<subcore_parallel>], iteration_bounds = array<i64: 2, 16>, scalar_prefetch = 0 : i64, scratch_operands = 9 : i64, tpu.core_type = #tpu.core_type<sc_vector_subcore>, window_params = [{transform_indices = #map}, {transform_indices = #map}, {transform_indices = #map}, {transform_indices = #map1}, {transform_indices = #map}, {transform_indices = #map}, {transform_indices = #map}]} {
    %mul3A = arith.constant 640 : i32
    %mul3A_0 = arith.muli %arg1, %mul3A : i32
    %multiple_of3A = tpu.assume_multiple %mul3A_0, 8 : i32
    "tpu.region"() ({
      %run_scoped3A = tpu.sem_alloc : memref<!tpu.dma_semaphore, #tpu.memory_space<semaphore_mem>>
      %dma_start3A = arith.constant 0 : i32
      %dma_start3A_48 = tpu.memref_slice %arg9[%multiple_of3A, %dma_start3A] : memref<10240x128xf32, #tpu.memory_space<vmem_shared>> -> memref<640x128xf32, #tpu.memory_space<vmem_shared>>
      tpu.enqueue_dma source(%arg4 : memref<640x128xf32, #tpu.memory_space<hbm>>) target(%dma_start3A_48 : memref<640x128xf32, #tpu.memory_space<vmem_shared>>) target_semaphore(%run_scoped3A : memref<!tpu.dma_semaphore, #tpu.memory_space<semaphore_mem>>)
      %dma_wait3A = arith.constant 0 : i32
      %dma_wait3A_49 = tpu.memref_slice %arg9[%multiple_of3A, %dma_wait3A] : memref<10240x128xf32, #tpu.memory_space<vmem_shared>> -> memref<640x128xf32, #tpu.memory_space<vmem_shared>>
      tpu.wait_dma2 semaphore(%run_scoped3A : memref<!tpu.dma_semaphore, #tpu.memory_space<semaphore_mem>>) src(%arg4 : memref<640x128xf32, #tpu.memory_space<hbm>>) dst(%dma_wait3A_49 : memref<640x128xf32, #tpu.memory_space<vmem_shared>>)
      tpu.yield
    }) : () -> ()
    "tpu.region"() ({
      %run_scoped3A = tpu.sem_alloc : memref<!tpu.dma_semaphore, #tpu.memory_space<semaphore_mem>>
      %dma_start3A = tpu.memref_slice %arg16[%multiple_of3A] : memref<10240xf32, #tpu.memory_space<vmem_shared>> -> memref<640xf32, #tpu.memory_space<vmem_shared>>
      tpu.enqueue_dma source(%arg5 : memref<640xf32, #tpu.memory_space<hbm>>) target(%dma_start3A : memref<640xf32, #tpu.memory_space<vmem_shared>>) target_semaphore(%run_scoped3A : memref<!tpu.dma_semaphore, #tpu.memory_space<semaphore_mem>>)
      %dma_wait3A = tpu.memref_slice %arg16[%multiple_of3A] : memref<10240xf32, #tpu.memory_space<vmem_shared>> -> memref<640xf32, #tpu.memory_space<vmem_shared>>
      tpu.wait_dma2 semaphore(%run_scoped3A : memref<!tpu.dma_semaphore, #tpu.memory_space<semaphore_mem>>) src(%arg5 : memref<640xf32, #tpu.memory_space<hbm>>) dst(%dma_wait3A : memref<640xf32, #tpu.memory_space<vmem_shared>>)
      tpu.yield
    }) : () -> ()
    %scan3A = arith.constant 0 : i32
    %scan3A_1 = arith.constant 8 : i32
    %scan3A_2 = arith.addi %scan3A, %scan3A_1 : i32
    %scan3A_3 = arith.constant 1 : i32
    scf.for %scan3A_48 = %scan3A to %scan3A_2 step %scan3A_3  : i32 {
      %mul3A_49 = arith.constant 16 : i32
      %mul3A_50 = arith.muli %scan3A_48, %mul3A_49 : i32
      %add3A_51 = arith.constant 0 : i32
      %add3A_52 = arith.addi %add3A_51, %mul3A_50 : i32
      %broadcast_in_dim3A = arith.constant 1.000000e+00 : f32
      %broadcast_in_dim3A_53 = vector.broadcast %broadcast_in_dim3A : f32 to vector<16xf32>
      %swap3A = arith.index_cast %add3A_52 : i32 to index
      %swap3A_54 = tpu.vector_load %arg17[%swap3A] {strides = array<i32>} : memref<128xf32, #tpu.memory_space<vmem>>, vector<16xf32>,
      %swap3A_55 = vector.shape_cast %swap3A_54 : vector<16xf32> to vector<16xf32>
      %swap3A_56 = vector.shape_cast %broadcast_in_dim3A_53 : vector<16xf32> to vector<16xf32>
      tpu.vector_store %arg17[%swap3A], %swap3A_56 {strides = array<i32>} : memref<128xf32, #tpu.memory_space<vmem>>, vector<16xf32>,
    }
    %scan3A_4 = arith.constant 8 : i32
    %barrier3A = arith.constant 0 : index
    tpu.barrier barrier_id(%barrier3A)
    %mul3A_5 = arith.constant 78 : i32
    %mul3A_6 = arith.muli %arg1, %mul3A_5 : i32
    %min3A = arith.constant 2 : i32
    %min3A_7 = arith.minsi %arg1, %min3A : i32
    %add3A = arith.addi %mul3A_6, %min3A_7 : i32
    %lt3A = arith.constant 2 : i32
    %lt3A_8 = arith.cmpi slt, %arg1, %lt3A : i32
    %convert_element_type3A = arith.extui %lt3A_8 : i1 to i32
    %add3A_9 = arith.constant 78 : i32
    %add3A_10 = arith.addi %add3A_9, %convert_element_type3A : i32
    %mul3A_11 = arith.constant 78 : i32
    %mul3A_12 = arith.muli %arg1, %mul3A_11 : i32
    %add3A_13 = arith.constant 1250 : i32
    %add3A_14 = arith.addi %add3A_13, %mul3A_12 : i32
    %min3A_15 = arith.constant 2 : i32
    %min3A_16 = arith.minsi %arg1, %min3A_15 : i32
    %add3A_17 = arith.addi %add3A_14, %min3A_16 : i32
    %lt3A_18 = arith.constant 2 : i32
    %lt3A_19 = arith.cmpi slt, %arg1, %lt3A_18 : i32
    %convert_element_type3A_20 = arith.extui %lt3A_19 : i1 to i32
    %add3A_21 = arith.constant 78 : i32
    %add3A_22 = arith.addi %add3A_21, %convert_element_type3A_20 : i32
    %eq3A = arith.constant 0 : i32
    %eq3A_23 = arith.cmpi eq, %arg0, %eq3A : i32
    %select_n3A = arith.select %eq3A_23, %add3A, %add3A_17 : i32
    %mul3A_24 = arith.constant 128 : i32
    %mul3A_25 = arith.muli %select_n3A, %mul3A_24 : i32
    %eq3A_26 = arith.constant 0 : i32
    %eq3A_27 = arith.cmpi eq, %arg0, %eq3A_26 : i32
    %select_n3A_28 = arith.select %eq3A_27, %add3A_10, %add3A_22 : i32
    %gt3A = arith.constant 0 : i32
    %gt3A_29 = arith.cmpi sgt, %select_n3A_28, %gt3A : i32
    %convert_element_type3A_30 = arith.extui %gt3A_29 : i1 to i32
    %cond3A = arith.constant 0 : i32
    %cond3A_31 = arith.cmpi ne, %convert_element_type3A_30, %cond3A : i32
    scf.if %cond3A_31 {
      %add3A_48 = arith.constant 0 : i32
      %add3A_49 = arith.addi %mul3A_25, %add3A_48 : i32
      %multiple_of3A_50 = tpu.assume_multiple %add3A_49, 8 : i32
      "tpu.region"() ({
        %run_scoped3A = tpu.sem_alloc : memref<!tpu.dma_semaphore, #tpu.memory_space<semaphore_mem>>
        %dma_start3A_57 = arith.constant 0 : i32
        %dma_start3A_58 = tpu.memref_slice %arg3[%dma_start3A_57, %multiple_of3A_50] : memref<2x320000xi32, #tpu.memory_space<hbm>> -> memref<2x128xi32, #tpu.memory_space<hbm>>
        %dma_start3A_59 = arith.constant 0 : i32
        %dma_start3A_60 = tpu.memref_slice %arg3[%dma_start3A_59, %multiple_of3A_50] : memref<2x320000xi32, #tpu.memory_space<hbm>> -> memref<2x128xi32, #tpu.memory_space<hbm>>
        tpu.enqueue_dma source(%dma_start3A_60 : memref<2x128xi32, #tpu.memory_space<hbm>>) target(%arg10 : memref<2x128xi32, #tpu.memory_space<vmem>>) target_semaphore(%run_scoped3A : memref<!tpu.dma_semaphore, #tpu.memory_space<semaphore_mem>>)
        %dma_wait3A = arith.constant 0 : i32
        %dma_wait3A_61 = tpu.memref_slice %arg3[%dma_wait3A, %multiple_of3A_50] : memref<2x320000xi32, #tpu.memory_space<hbm>> -> memref<2x128xi32, #tpu.memory_space<hbm>>
        %dma_wait3A_62 = arith.constant 0 : i32
        %dma_wait3A_63 = tpu.memref_slice %arg3[%dma_wait3A_62, %multiple_of3A_50] : memref<2x320000xi32, #tpu.memory_space<hbm>> -> memref<2x128xi32, #tpu.memory_space<hbm>>
        tpu.wait_dma2 semaphore(%run_scoped3A : memref<!tpu.dma_semaphore, #tpu.memory_space<semaphore_mem>>) src(%dma_wait3A_63 : memref<2x128xi32, #tpu.memory_space<hbm>>) dst(%arg10 : memref<2x128xi32, #tpu.memory_space<vmem>>)
        tpu.yield
      }) : () -> ()
      %dma_start3A = arith.constant 0 : i32
      %dma_start3A_51 = arith.constant 0 : i32
      %dma_start3A_52 = tpu.memref_slice %arg10[%dma_start3A, %dma_start3A_51] : memref<2x128xi32, #tpu.memory_space<vmem>> -> memref<1x128xi32, #tpu.memory_space<vmem>>
      %dma_start3A_53 = tpu.memref_squeeze %dma_start3A_52 : memref<1x128xi32, #tpu.memory_space<vmem>> -> memref<128xi32, #tpu.memory_space<vmem>>
      %dma_start3A_54 = arith.constant 0 : i32
      %dma_start3A_55 = arith.constant 0 : i32
      %dma_start3A_56 = tpu.memref_slice %arg2[%dma_start3A_54, %dma_start3A_55] : memref<10000x128xf32, #tpu.memory_space<hbm>> -> memref<10000x128xf32, #tpu.memory_space<hbm>>
      tpu.enqueue_indirect_dma source(%dma_start3A_56 : memref<10000x128xf32, #tpu.memory_space<hbm>>) target(%arg12 : memref<128x128xf32, #tpu.memory_space<vmem>>) offsets(%dma_start3A_53 : memref<128xi32, #tpu.memory_space<vmem>>) semaphore(%arg14 : memref<!tpu.dma_semaphore, #tpu.memory_space<semaphore_mem>>)
    } else {
    }
    %scan3A_32 = arith.constant 0 : i32
    %scan3A_33 = arith.constant 40 : i32
    %scan3A_34 = arith.addi %scan3A_32, %scan3A_33 : i32
    %scan3A_35 = arith.constant 1 : i32
    scf.for %scan3A_48 = %scan3A_32 to %scan3A_34 step %scan3A_35  : i32 {
      %mul3A_49 = arith.constant 2 : i32
      %mul3A_50 = arith.muli %scan3A_48, %mul3A_49 : i32
      %add3A_51 = arith.constant 0 : i32
      %add3A_52 = arith.addi %add3A_51, %mul3A_50 : i32
      %lt3A_53 = arith.cmpi slt, %add3A_52, %select_n3A_28 : i32
      %convert_element_type3A_54 = arith.extui %lt3A_53 : i1 to i32
      %cond3A_55 = arith.constant 0 : i32
      %cond3A_56 = arith.cmpi ne, %convert_element_type3A_54, %cond3A_55 : i32
      scf.if %cond3A_56 {
        %add3A_57 = arith.constant 1 : i32
        %add3A_58 = arith.addi %add3A_52, %add3A_57 : i32
        %lt3A_59 = arith.cmpi slt, %add3A_58, %select_n3A_28 : i32
        %convert_element_type3A_60 = arith.extui %lt3A_59 : i1 to i32
        %cond3A_61 = arith.constant 0 : i32
        %cond3A_62 = arith.cmpi ne, %convert_element_type3A_60, %cond3A_61 : i32
        scf.if %cond3A_62 {
          %add3A_76 = arith.constant 1 : i32
          %add3A_77 = arith.addi %add3A_52, %add3A_76 : i32
          %mul3A_78 = arith.constant 128 : i32
          %mul3A_79 = arith.muli %add3A_77, %mul3A_78 : i32
          %add3A_80 = arith.addi %mul3A_25, %mul3A_79 : i32
          %multiple_of3A_81 = tpu.assume_multiple %add3A_80, 8 : i32
          "tpu.region"() ({
            %run_scoped3A_88 = tpu.sem_alloc : memref<!tpu.dma_semaphore, #tpu.memory_space<semaphore_mem>>
            %dma_start3A_89 = arith.constant 0 : i32
            %dma_start3A_90 = tpu.memref_slice %arg3[%dma_start3A_89, %multiple_of3A_81] : memref<2x320000xi32, #tpu.memory_space<hbm>> -> memref<2x128xi32, #tpu.memory_space<hbm>>
            %dma_start3A_91 = arith.constant 0 : i32
            %dma_start3A_92 = tpu.memref_slice %arg3[%dma_start3A_91, %multiple_of3A_81] : memref<2x320000xi32, #tpu.memory_space<hbm>> -> memref<2x128xi32, #tpu.memory_space<hbm>>
            tpu.enqueue_dma source(%dma_start3A_92 : memref<2x128xi32, #tpu.memory_space<hbm>>) target(%arg11 : memref<2x128xi32, #tpu.memory_space<vmem>>) target_semaphore(%run_scoped3A_88 : memref<!tpu.dma_semaphore, #tpu.memory_space<semaphore_mem>>)
            %dma_wait3A_93 = arith.constant 0 : i32
            %dma_wait3A_94 = tpu.memref_slice %arg3[%dma_wait3A_93, %multiple_of3A_81] : memref<2x320000xi32, #tpu.memory_space<hbm>> -> memref<2x128xi32, #tpu.memory_space<hbm>>
            %dma_wait3A_95 = arith.constant 0 : i32
            %dma_wait3A_96 = tpu.memref_slice %arg3[%dma_wait3A_95, %multiple_of3A_81] : memref<2x320000xi32, #tpu.memory_space<hbm>> -> memref<2x128xi32, #tpu.memory_space<hbm>>
            tpu.wait_dma2 semaphore(%run_scoped3A_88 : memref<!tpu.dma_semaphore, #tpu.memory_space<semaphore_mem>>) src(%dma_wait3A_96 : memref<2x128xi32, #tpu.memory_space<hbm>>) dst(%arg11 : memref<2x128xi32, #tpu.memory_space<vmem>>)
            tpu.yield
          }) : () -> ()
          %dma_start3A = arith.constant 0 : i32
          %dma_start3A_82 = arith.constant 0 : i32
          %dma_start3A_83 = tpu.memref_slice %arg11[%dma_start3A, %dma_start3A_82] : memref<2x128xi32, #tpu.memory_space<vmem>> -> memref<1x128xi32, #tpu.memory_space<vmem>>
          %dma_start3A_84 = tpu.memref_squeeze %dma_start3A_83 : memref<1x128xi32, #tpu.memory_space<vmem>> -> memref<128xi32, #tpu.memory_space<vmem>>
          %dma_start3A_85 = arith.constant 0 : i32
          %dma_start3A_86 = arith.constant 0 : i32
          %dma_start3A_87 = tpu.memref_slice %arg2[%dma_start3A_85, %dma_start3A_86] : memref<10000x128xf32, #tpu.memory_space<hbm>> -> memref<10000x128xf32, #tpu.memory_space<hbm>>
          tpu.enqueue_indirect_dma source(%dma_start3A_87 : memref<10000x128xf32, #tpu.memory_space<hbm>>) target(%arg13 : memref<128x128xf32, #tpu.memory_space<vmem>>) offsets(%dma_start3A_84 : memref<128xi32, #tpu.memory_space<vmem>>) semaphore(%arg15 : memref<!tpu.dma_semaphore, #tpu.memory_space<semaphore_mem>>)
        } else {
        }
        %dma_wait3A = arith.constant 0 : i32
        %dma_wait3A_63 = arith.constant 0 : i32
        %dma_wait3A_64 = tpu.memref_slice %arg10[%dma_wait3A, %dma_wait3A_63] : memref<2x128xi32, #tpu.memory_space<vmem>> -> memref<1x128xi32, #tpu.memory_space<vmem>>
        %dma_wait3A_65 = tpu.memref_squeeze %dma_wait3A_64 : memref<1x128xi32, #tpu.memory_space<vmem>> -> memref<128xi32, #tpu.memory_space<vmem>>
        %dma_wait3A_66 = arith.constant 0 : i32
        %dma_wait3A_67 = arith.constant 0 : i32
        %dma_wait3A_68 = tpu.memref_slice %arg2[%dma_wait3A_66, %dma_wait3A_67] : memref<10000x128xf32, #tpu.memory_space<hbm>> -> memref<10000x128xf32, #tpu.memory_space<hbm>>
        tpu.wait_indirect_dma semaphore(%arg14 : memref<!tpu.dma_semaphore, #tpu.memory_space<semaphore_mem>>) src(%dma_wait3A_68 : memref<10000x128xf32, #tpu.memory_space<hbm>>) dst(%arg12 : memref<128x128xf32, #tpu.memory_space<vmem>>)
        %run_scoped3A = arith.constant 1 : i32
        "tpu.region"() ({
          %run_scoped3A_76 = tpu.sem_alloc : memref<!tpu.dma_semaphore, #tpu.memory_space<semaphore_mem>>
          %dma_start3A = arith.constant 0 : i32
          %dma_start3A_77 = tpu.memref_slice %arg10[%run_scoped3A, %dma_start3A] : memref<2x128xi32, #tpu.memory_space<vmem>> -> memref<1x128xi32, #tpu.memory_space<vmem>>
          %dma_start3A_78 = tpu.memref_squeeze %dma_start3A_77 : memref<1x128xi32, #tpu.memory_space<vmem>> -> memref<128xi32, #tpu.memory_space<vmem>>
          %dma_start3A_79 = arith.constant 0 : i32
          %dma_start3A_80 = arith.constant 0 : i32
          %dma_start3A_81 = tpu.memref_slice %arg9[%dma_start3A_79, %dma_start3A_80] : memref<10240x128xf32, #tpu.memory_space<vmem_shared>> -> memref<10240x128xf32, #tpu.memory_space<vmem_shared>>
          tpu.enqueue_indirect_dma source(%arg12 : memref<128x128xf32, #tpu.memory_space<vmem>>) target(%dma_start3A_81 : memref<10240x128xf32, #tpu.memory_space<vmem_shared>>) offsets(%dma_start3A_78 : memref<128xi32, #tpu.memory_space<vmem>>) semaphore(%run_scoped3A_76 : memref<!tpu.dma_semaphore, #tpu.memory_space<semaphore_mem>>) {add = true}
          %dma_wait3A_82 = arith.constant 0 : i32
          %dma_wait3A_83 = tpu.memref_slice %arg10[%run_scoped3A, %dma_wait3A_82] : memref<2x128xi32, #tpu.memory_space<vmem>> -> memref<1x128xi32, #tpu.memory_space<vmem>>
          %dma_wait3A_84 = tpu.memref_squeeze %dma_wait3A_83 : memref<1x128xi32, #tpu.memory_space<vmem>> -> memref<128xi32, #tpu.memory_space<vmem>>
          %dma_wait3A_85 = arith.constant 0 : i32
          %dma_wait3A_86 = arith.constant 0 : i32
          %dma_wait3A_87 = tpu.memref_slice %arg9[%dma_wait3A_85, %dma_wait3A_86] : memref<10240x128xf32, #tpu.memory_space<vmem_shared>> -> memref<10240x128xf32, #tpu.memory_space<vmem_shared>>
          tpu.wait_indirect_dma semaphore(%run_scoped3A_76 : memref<!tpu.dma_semaphore, #tpu.memory_space<semaphore_mem>>) src(%arg12 : memref<128x128xf32, #tpu.memory_space<vmem>>) dst(%dma_wait3A_87 : memref<10240x128xf32, #tpu.memory_space<vmem_shared>>)
          tpu.yield
        }) : () -> ()
        %run_scoped3A_69 = arith.constant 1 : i32
        "tpu.region"() ({
          %run_scoped3A_76 = tpu.sem_alloc : memref<!tpu.dma_semaphore, #tpu.memory_space<semaphore_mem>>
          %dma_start3A = arith.constant 0 : i32
          %dma_start3A_77 = tpu.memref_slice %arg10[%run_scoped3A_69, %dma_start3A] : memref<2x128xi32, #tpu.memory_space<vmem>> -> memref<1x128xi32, #tpu.memory_space<vmem>>
          %dma_start3A_78 = tpu.memref_squeeze %dma_start3A_77 : memref<1x128xi32, #tpu.memory_space<vmem>> -> memref<128xi32, #tpu.memory_space<vmem>>
          %dma_start3A_79 = arith.constant 0 : i32
          %dma_start3A_80 = tpu.memref_slice %arg16[%dma_start3A_79] : memref<10240xf32, #tpu.memory_space<vmem_shared>> -> memref<10240xf32, #tpu.memory_space<vmem_shared>>
          tpu.enqueue_indirect_dma source(%arg17 : memref<128xf32, #tpu.memory_space<vmem>>) target(%dma_start3A_80 : memref<10240xf32, #tpu.memory_space<vmem_shared>>) offsets(%dma_start3A_78 : memref<128xi32, #tpu.memory_space<vmem>>) semaphore(%run_scoped3A_76 : memref<!tpu.dma_semaphore, #tpu.memory_space<semaphore_mem>>) {add = true}
          %dma_wait3A_81 = arith.constant 0 : i32
          %dma_wait3A_82 = tpu.memref_slice %arg10[%run_scoped3A_69, %dma_wait3A_81] : memref<2x128xi32, #tpu.memory_space<vmem>> -> memref<1x128xi32, #tpu.memory_space<vmem>>
          %dma_wait3A_83 = tpu.memref_squeeze %dma_wait3A_82 : memref<1x128xi32, #tpu.memory_space<vmem>> -> memref<128xi32, #tpu.memory_space<vmem>>
          %dma_wait3A_84 = arith.constant 0 : i32
          %dma_wait3A_85 = tpu.memref_slice %arg16[%dma_wait3A_84] : memref<10240xf32, #tpu.memory_space<vmem_shared>> -> memref<10240xf32, #tpu.memory_space<vmem_shared>>
          tpu.wait_indirect_dma semaphore(%run_scoped3A_76 : memref<!tpu.dma_semaphore, #tpu.memory_space<semaphore_mem>>) src(%arg17 : memref<128xf32, #tpu.memory_space<vmem>>) dst(%dma_wait3A_85 : memref<10240xf32, #tpu.memory_space<vmem_shared>>)
          tpu.yield
        }) : () -> ()
        %add3A_70 = arith.constant 1 : i32
        %add3A_71 = arith.addi %add3A_52, %add3A_70 : i32
        %lt3A_72 = arith.cmpi slt, %add3A_71, %select_n3A_28 : i32
        %convert_element_type3A_73 = arith.extui %lt3A_72 : i1 to i32
        %cond3A_74 = arith.constant 0 : i32
        %cond3A_75 = arith.cmpi ne, %convert_element_type3A_73, %cond3A_74 : i32
        scf.if %cond3A_75 {
          %add3A_76 = arith.constant 2 : i32
          %add3A_77 = arith.addi %add3A_52, %add3A_76 : i32
          %lt3A_78 = arith.cmpi slt, %add3A_77, %select_n3A_28 : i32
          %convert_element_type3A_79 = arith.extui %lt3A_78 : i1 to i32
          %cond3A_80 = arith.constant 0 : i32
          %cond3A_81 = arith.cmpi ne, %convert_element_type3A_79, %cond3A_80 : i32
          scf.if %cond3A_81 {
            %add3A_91 = arith.constant 2 : i32
            %add3A_92 = arith.addi %add3A_52, %add3A_91 : i32
            %mul3A_93 = arith.constant 128 : i32
            %mul3A_94 = arith.muli %add3A_92, %mul3A_93 : i32
            %add3A_95 = arith.addi %mul3A_25, %mul3A_94 : i32
            %multiple_of3A_96 = tpu.assume_multiple %add3A_95, 8 : i32
            "tpu.region"() ({
              %run_scoped3A_103 = tpu.sem_alloc : memref<!tpu.dma_semaphore, #tpu.memory_space<semaphore_mem>>
              %dma_start3A_104 = arith.constant 0 : i32
              %dma_start3A_105 = tpu.memref_slice %arg3[%dma_start3A_104, %multiple_of3A_96] : memref<2x320000xi32, #tpu.memory_space<hbm>> -> memref<2x128xi32, #tpu.memory_space<hbm>>
              %dma_start3A_106 = arith.constant 0 : i32
              %dma_start3A_107 = tpu.memref_slice %arg3[%dma_start3A_106, %multiple_of3A_96] : memref<2x320000xi32, #tpu.memory_space<hbm>> -> memref<2x128xi32, #tpu.memory_space<hbm>>
              tpu.enqueue_dma source(%dma_start3A_107 : memref<2x128xi32, #tpu.memory_space<hbm>>) target(%arg10 : memref<2x128xi32, #tpu.memory_space<vmem>>) target_semaphore(%run_scoped3A_103 : memref<!tpu.dma_semaphore, #tpu.memory_space<semaphore_mem>>)
              %dma_wait3A_108 = arith.constant 0 : i32
              %dma_wait3A_109 = tpu.memref_slice %arg3[%dma_wait3A_108, %multiple_of3A_96] : memref<2x320000xi32, #tpu.memory_space<hbm>> -> memref<2x128xi32, #tpu.memory_space<hbm>>
              %dma_wait3A_110 = arith.constant 0 : i32
              %dma_wait3A_111 = tpu.memref_slice %arg3[%dma_wait3A_110, %multiple_of3A_96] : memref<2x320000xi32, #tpu.memory_space<hbm>> -> memref<2x128xi32, #tpu.memory_space<hbm>>
              tpu.wait_dma2 semaphore(%run_scoped3A_103 : memref<!tpu.dma_semaphore, #tpu.memory_space<semaphore_mem>>) src(%dma_wait3A_111 : memref<2x128xi32, #tpu.memory_space<hbm>>) dst(%arg10 : memref<2x128xi32, #tpu.memory_space<vmem>>)
              tpu.yield
            }) : () -> ()
            %dma_start3A = arith.constant 0 : i32
            %dma_start3A_97 = arith.constant 0 : i32
            %dma_start3A_98 = tpu.memref_slice %arg10[%dma_start3A, %dma_start3A_97] : memref<2x128xi32, #tpu.memory_space<vmem>> -> memref<1x128xi32, #tpu.memory_space<vmem>>
            %dma_start3A_99 = tpu.memref_squeeze %dma_start3A_98 : memref<1x128xi32, #tpu.memory_space<vmem>> -> memref<128xi32, #tpu.memory_space<vmem>>
            %dma_start3A_100 = arith.constant 0 : i32
            %dma_start3A_101 = arith.constant 0 : i32
            %dma_start3A_102 = tpu.memref_slice %arg2[%dma_start3A_100, %dma_start3A_101] : memref<10000x128xf32, #tpu.memory_space<hbm>> -> memref<10000x128xf32, #tpu.memory_space<hbm>>
            tpu.enqueue_indirect_dma source(%dma_start3A_102 : memref<10000x128xf32, #tpu.memory_space<hbm>>) target(%arg12 : memref<128x128xf32, #tpu.memory_space<vmem>>) offsets(%dma_start3A_99 : memref<128xi32, #tpu.memory_space<vmem>>) semaphore(%arg14 : memref<!tpu.dma_semaphore, #tpu.memory_space<semaphore_mem>>)
          } else {
          }
          %dma_wait3A_82 = arith.constant 0 : i32
          %dma_wait3A_83 = arith.constant 0 : i32
          %dma_wait3A_84 = tpu.memref_slice %arg11[%dma_wait3A_82, %dma_wait3A_83] : memref<2x128xi32, #tpu.memory_space<vmem>> -> memref<1x128xi32, #tpu.memory_space<vmem>>
          %dma_wait3A_85 = tpu.memref_squeeze %dma_wait3A_84 : memref<1x128xi32, #tpu.memory_space<vmem>> -> memref<128xi32, #tpu.memory_space<vmem>>
          %dma_wait3A_86 = arith.constant 0 : i32
          %dma_wait3A_87 = arith.constant 0 : i32
          %dma_wait3A_88 = tpu.memref_slice %arg2[%dma_wait3A_86, %dma_wait3A_87] : memref<10000x128xf32, #tpu.memory_space<hbm>> -> memref<10000x128xf32, #tpu.memory_space<hbm>>
          tpu.wait_indirect_dma semaphore(%arg15 : memref<!tpu.dma_semaphore, #tpu.memory_space<semaphore_mem>>) src(%dma_wait3A_88 : memref<10000x128xf32, #tpu.memory_space<hbm>>) dst(%arg13 : memref<128x128xf32, #tpu.memory_space<vmem>>)
          %run_scoped3A_89 = arith.constant 1 : i32
          "tpu.region"() ({
            %run_scoped3A_91 = tpu.sem_alloc : memref<!tpu.dma_semaphore, #tpu.memory_space<semaphore_mem>>
            %dma_start3A = arith.constant 0 : i32
            %dma_start3A_92 = tpu.memref_slice %arg11[%run_scoped3A_89, %dma_start3A] : memref<2x128xi32, #tpu.memory_space<vmem>> -> memref<1x128xi32, #tpu.memory_space<vmem>>
            %dma_start3A_93 = tpu.memref_squeeze %dma_start3A_92 : memref<1x128xi32, #tpu.memory_space<vmem>> -> memref<128xi32, #tpu.memory_space<vmem>>
            %dma_start3A_94 = arith.constant 0 : i32
            %dma_start3A_95 = arith.constant 0 : i32
            %dma_start3A_96 = tpu.memref_slice %arg9[%dma_start3A_94, %dma_start3A_95] : memref<10240x128xf32, #tpu.memory_space<vmem_shared>> -> memref<10240x128xf32, #tpu.memory_space<vmem_shared>>
            tpu.enqueue_indirect_dma source(%arg13 : memref<128x128xf32, #tpu.memory_space<vmem>>) target(%dma_start3A_96 : memref<10240x128xf32, #tpu.memory_space<vmem_shared>>) offsets(%dma_start3A_93 : memref<128xi32, #tpu.memory_space<vmem>>) semaphore(%run_scoped3A_91 : memref<!tpu.dma_semaphore, #tpu.memory_space<semaphore_mem>>) {add = true}
            %dma_wait3A_97 = arith.constant 0 : i32
            %dma_wait3A_98 = tpu.memref_slice %arg11[%run_scoped3A_89, %dma_wait3A_97] : memref<2x128xi32, #tpu.memory_space<vmem>> -> memref<1x128xi32, #tpu.memory_space<vmem>>
            %dma_wait3A_99 = tpu.memref_squeeze %dma_wait3A_98 : memref<1x128xi32, #tpu.memory_space<vmem>> -> memref<128xi32, #tpu.memory_space<vmem>>
            %dma_wait3A_100 = arith.constant 0 : i32
            %dma_wait3A_101 = arith.constant 0 : i32
            %dma_wait3A_102 = tpu.memref_slice %arg9[%dma_wait3A_100, %dma_wait3A_101] : memref<10240x128xf32, #tpu.memory_space<vmem_shared>> -> memref<10240x128xf32, #tpu.memory_space<vmem_shared>>
            tpu.wait_indirect_dma semaphore(%run_scoped3A_91 : memref<!tpu.dma_semaphore, #tpu.memory_space<semaphore_mem>>) src(%arg13 : memref<128x128xf32, #tpu.memory_space<vmem>>) dst(%dma_wait3A_102 : memref<10240x128xf32, #tpu.memory_space<vmem_shared>>)
            tpu.yield
          }) : () -> ()
          %run_scoped3A_90 = arith.constant 1 : i32
          "tpu.region"() ({
            %run_scoped3A_91 = tpu.sem_alloc : memref<!tpu.dma_semaphore, #tpu.memory_space<semaphore_mem>>
            %dma_start3A = arith.constant 0 : i32
            %dma_start3A_92 = tpu.memref_slice %arg11[%run_scoped3A_90, %dma_start3A] : memref<2x128xi32, #tpu.memory_space<vmem>> -> memref<1x128xi32, #tpu.memory_space<vmem>>
            %dma_start3A_93 = tpu.memref_squeeze %dma_start3A_92 : memref<1x128xi32, #tpu.memory_space<vmem>> -> memref<128xi32, #tpu.memory_space<vmem>>
            %dma_start3A_94 = arith.constant 0 : i32
            %dma_start3A_95 = tpu.memref_slice %arg16[%dma_start3A_94] : memref<10240xf32, #tpu.memory_space<vmem_shared>> -> memref<10240xf32, #tpu.memory_space<vmem_shared>>
            tpu.enqueue_indirect_dma source(%arg17 : memref<128xf32, #tpu.memory_space<vmem>>) target(%dma_start3A_95 : memref<10240xf32, #tpu.memory_space<vmem_shared>>) offsets(%dma_start3A_93 : memref<128xi32, #tpu.memory_space<vmem>>) semaphore(%run_scoped3A_91 : memref<!tpu.dma_semaphore, #tpu.memory_space<semaphore_mem>>) {add = true}
            %dma_wait3A_96 = arith.constant 0 : i32
            %dma_wait3A_97 = tpu.memref_slice %arg11[%run_scoped3A_90, %dma_wait3A_96] : memref<2x128xi32, #tpu.memory_space<vmem>> -> memref<1x128xi32, #tpu.memory_space<vmem>>
            %dma_wait3A_98 = tpu.memref_squeeze %dma_wait3A_97 : memref<1x128xi32, #tpu.memory_space<vmem>> -> memref<128xi32, #tpu.memory_space<vmem>>
            %dma_wait3A_99 = arith.constant 0 : i32
            %dma_wait3A_100 = tpu.memref_slice %arg16[%dma_wait3A_99] : memref<10240xf32, #tpu.memory_space<vmem_shared>> -> memref<10240xf32, #tpu.memory_space<vmem_shared>>
            tpu.wait_indirect_dma semaphore(%run_scoped3A_91 : memref<!tpu.dma_semaphore, #tpu.memory_space<semaphore_mem>>) src(%arg17 : memref<128xf32, #tpu.memory_space<vmem>>) dst(%dma_wait3A_100 : memref<10240xf32, #tpu.memory_space<vmem_shared>>)
            tpu.yield
          }) : () -> ()
        } else {
        }
      } else {
      }
    }
    %scan3A_36 = arith.constant 40 : i32
    %barrier3A_37 = arith.constant 0 : index
    tpu.barrier barrier_id(%barrier3A_37)
    %eq3A_38 = arith.constant 0 : i32
    %eq3A_39 = arith.cmpi eq, %arg0, %eq3A_38 : i32
    %convert_element_type3A_40 = arith.extui %eq3A_39 : i1 to i32
    %cond3A_41 = arith.constant 0 : i32
    %cond3A_42 = arith.cmpi ne, %convert_element_type3A_40, %cond3A_41 : i32
    scf.if %cond3A_42 {
      "tpu.region"() ({
        %run_scoped3A = tpu.sem_alloc : memref<!tpu.dma_semaphore, #tpu.memory_space<semaphore_mem>>
        %dma_start3A = arith.constant 0 : i32
        %dma_start3A_48 = tpu.memref_slice %arg6[%multiple_of3A, %dma_start3A] : memref<10240x128xf32, #tpu.memory_space<hbm>> -> memref<640x128xf32, #tpu.memory_space<hbm>>
        %dma_start3A_49 = arith.constant 0 : i32
        %dma_start3A_50 = tpu.memref_slice %arg9[%multiple_of3A, %dma_start3A_49] : memref<10240x128xf32, #tpu.memory_space<vmem_shared>> -> memref<640x128xf32, #tpu.memory_space<vmem_shared>>
        tpu.enqueue_dma source(%dma_start3A_50 : memref<640x128xf32, #tpu.memory_space<vmem_shared>>) target(%dma_start3A_48 : memref<640x128xf32, #tpu.memory_space<hbm>>) target_semaphore(%run_scoped3A : memref<!tpu.dma_semaphore, #tpu.memory_space<semaphore_mem>>)
        %dma_wait3A = arith.constant 0 : i32
        %dma_wait3A_51 = tpu.memref_slice %arg6[%multiple_of3A, %dma_wait3A] : memref<10240x128xf32, #tpu.memory_space<hbm>> -> memref<640x128xf32, #tpu.memory_space<hbm>>
        %dma_wait3A_52 = arith.constant 0 : i32
        %dma_wait3A_53 = tpu.memref_slice %arg9[%multiple_of3A, %dma_wait3A_52] : memref<10240x128xf32, #tpu.memory_space<vmem_shared>> -> memref<640x128xf32, #tpu.memory_space<vmem_shared>>
        tpu.wait_dma2 semaphore(%run_scoped3A : memref<!tpu.dma_semaphore, #tpu.memory_space<semaphore_mem>>) src(%dma_wait3A_53 : memref<640x128xf32, #tpu.memory_space<vmem_shared>>) dst(%dma_wait3A_51 : memref<640x128xf32, #tpu.memory_space<hbm>>)
        tpu.yield
      }) : () -> ()
    } else {
    }
    %eq3A_43 = arith.constant 1 : i32
    %eq3A_44 = arith.cmpi eq, %arg0, %eq3A_43 : i32
    %convert_element_type3A_45 = arith.extui %eq3A_44 : i1 to i32
    %cond3A_46 = arith.constant 0 : i32
    %cond3A_47 = arith.cmpi ne, %convert_element_type3A_45, %cond3A_46 : i32
    scf.if %cond3A_47 {
      "tpu.region"() ({
        %run_scoped3A = tpu.sem_alloc : memref<!tpu.dma_semaphore, #tpu.memory_space<semaphore_mem>>
        %dma_start3A = arith.constant 0 : i32
        %dma_start3A_48 = tpu.memref_slice %arg7[%multiple_of3A, %dma_start3A] : memref<10240x128xf32, #tpu.memory_space<hbm>> -> memref<640x128xf32, #tpu.memory_space<hbm>>
        %dma_start3A_49 = arith.constant 0 : i32
        %dma_start3A_50 = tpu.memref_slice %arg9[%multiple_of3A, %dma_start3A_49] : memref<10240x128xf32, #tpu.memory_space<vmem_shared>> -> memref<640x128xf32, #tpu.memory_space<vmem_shared>>
        tpu.enqueue_dma source(%dma_start3A_50 : memref<640x128xf32, #tpu.memory_space<vmem_shared>>) target(%dma_start3A_48 : memref<640x128xf32, #tpu.memory_space<hbm>>) target_semaphore(%run_scoped3A : memref<!tpu.dma_semaphore, #tpu.memory_space<semaphore_mem>>)
        %dma_wait3A = arith.constant 0 : i32
        %dma_wait3A_51 = tpu.memref_slice %arg7[%multiple_of3A, %dma_wait3A] : memref<10240x128xf32, #tpu.memory_space<hbm>> -> memref<640x128xf32, #tpu.memory_space<hbm>>
        %dma_wait3A_52 = arith.constant 0 : i32
        %dma_wait3A_53 = tpu.memref_slice %arg9[%multiple_of3A, %dma_wait3A_52] : memref<10240x128xf32, #tpu.memory_space<vmem_shared>> -> memref<640x128xf32, #tpu.memory_space<vmem_shared>>
        tpu.wait_dma2 semaphore(%run_scoped3A : memref<!tpu.dma_semaphore, #tpu.memory_space<semaphore_mem>>) src(%dma_wait3A_53 : memref<640x128xf32, #tpu.memory_space<vmem_shared>>) dst(%dma_wait3A_51 : memref<640x128xf32, #tpu.memory_space<hbm>>)
        tpu.yield
      }) : () -> ()
    } else {
    }
    "tpu.region"() ({
      %run_scoped3A = tpu.sem_alloc : memref<!tpu.dma_semaphore, #tpu.memory_space<semaphore_mem>>
      %dma_start3A = arith.constant 0 : i32
      %dma_start3A_48 = tpu.memref_slice %arg8[%arg0, %dma_start3A] : memref<2x10240xf32, #tpu.memory_space<hbm>> -> memref<1x10240xf32, #tpu.memory_space<hbm>>
      %dma_start3A_49 = tpu.memref_squeeze %dma_start3A_48 : memref<1x10240xf32, #tpu.memory_space<hbm>> -> memref<10240xf32, #tpu.memory_space<hbm>>
      %dma_start3A_50 = tpu.memref_slice %dma_start3A_49[%multiple_of3A] : memref<10240xf32, #tpu.memory_space<hbm>> -> memref<640xf32, #tpu.memory_space<hbm>>
      %dma_start3A_51 = tpu.memref_slice %arg16[%multiple_of3A] : memref<10240xf32, #tpu.memory_space<vmem_shared>> -> memref<640xf32, #tpu.memory_space<vmem_shared>>
      tpu.enqueue_dma source(%dma_start3A_51 : memref<640xf32, #tpu.memory_space<vmem_shared>>) target(%dma_start3A_50 : memref<640xf32, #tpu.memory_space<hbm>>) target_semaphore(%run_scoped3A : memref<!tpu.dma_semaphore, #tpu.memory_space<semaphore_mem>>)
      %dma_wait3A = arith.constant 0 : i32
      %dma_wait3A_52 = tpu.memref_slice %arg8[%arg0, %dma_wait3A] : memref<2x10240xf32, #tpu.memory_space<hbm>> -> memref<1x10240xf32, #tpu.memory_space<hbm>>
      %dma_wait3A_53 = tpu.memref_squeeze %dma_wait3A_52 : memref<1x10240xf32, #tpu.memory_space<hbm>> -> memref<10240xf32, #tpu.memory_space<hbm>>
      %dma_wait3A_54 = tpu.memref_slice %dma_wait3A_53[%multiple_of3A] : memref<10240xf32, #tpu.memory_space<hbm>> -> memref<640xf32, #tpu.memory_space<hbm>>
      %dma_wait3A_55 = tpu.memref_slice %arg16[%multiple_of3A] : memref<10240xf32, #tpu.memory_space<vmem_shared>> -> memref<640xf32, #tpu.memory_space<vmem_shared>>
      tpu.wait_dma2 semaphore(%run_scoped3A : memref<!tpu.dma_semaphore, #tpu.memory_space<semaphore_mem>>) src(%dma_wait3A_55 : memref<640xf32, #tpu.memory_space<vmem_shared>>) dst(%dma_wait3A_54 : memref<640xf32, #tpu.memory_space<hbm>>)
      tpu.yield
    }) : () -> ()
    return
  }
}

module attributes {stable_mosaic.version = 14 : i64} {
  func.func @_dense_body(%arg0: i32, %arg1: memref<2000x128xf32, #tpu.memory_space<vmem>>, %arg2: memref<2000x128xf32, #tpu.memory_space<vmem>>, %arg3: memref<2000x1xf32, #tpu.memory_space<vmem>>, %arg4: memref<2000x1xf32, #tpu.memory_space<vmem>>, %arg5: memref<256x128xf32, #tpu.memory_space<vmem>>, %arg6: memref<1x256xf32, #tpu.memory_space<vmem>>, %arg7: memref<128x256xf32, #tpu.memory_space<vmem>>, %arg8: memref<2000x128xf32, #tpu.memory_space<vmem>>) attributes {dimension_semantics = [#tpu.dimension_semantics<arbitrary>], iteration_bounds = array<i64: 5>, scalar_prefetch = 0 : i64, scratch_operands = 0 : i64, tpu.core_type = #tpu.core_type<tc>, window_params = [{transform_indices = @transform_0, window_bounds = array<i64: 2000, 128>}, {transform_indices = @transform_1, window_bounds = array<i64: 2000, 128>}, {transform_indices = @transform_2, window_bounds = array<i64: 2000, 1>}, {transform_indices = @transform_3, window_bounds = array<i64: 2000, 1>}, {pipeline_mode = #tpu.pipeline_mode<synchronous>, transform_indices = @transform_4, window_bounds = array<i64: 256, 128>}, {pipeline_mode = #tpu.pipeline_mode<synchronous>, transform_indices = @transform_5, window_bounds = array<i64: 1, 256>}, {pipeline_mode = #tpu.pipeline_mode<synchronous>, transform_indices = @transform_6, window_bounds = array<i64: 128, 256>}, {transform_indices = @transform_7, window_bounds = array<i64: 2000, 128>}]} {
    %get3A = arith.constant 0 : index
    %get3A_0 = arith.constant 0 : index
    %get3A_1 = vector.load %arg1[%get3A, %get3A_0] : memref<2000x128xf32, #tpu.memory_space<vmem>>, vector<2000x128xf32>
    %get3A_2 = arith.constant 0 : index
    %get3A_3 = arith.constant 0 : index
    %get3A_4 = vector.load %arg2[%get3A_2, %get3A_3] : memref<2000x128xf32, #tpu.memory_space<vmem>>, vector<2000x128xf32>
    %add3A = arith.addf %get3A_1, %get3A_4 : vector<2000x128xf32>
    %get3A_5 = arith.constant 0 : index
    %get3A_6 = arith.constant 0 : index
    %get3A_7 = vector.load %arg3[%get3A_5, %get3A_6] : memref<2000x1xf32, #tpu.memory_space<vmem>>, vector<2000x1xf32>
    %get3A_8 = arith.constant 0 : index
    %get3A_9 = arith.constant 0 : index
    %get3A_10 = vector.load %arg4[%get3A_8, %get3A_9] : memref<2000x1xf32, #tpu.memory_space<vmem>>, vector<2000x1xf32>
    %add3A_11 = arith.addf %get3A_7, %get3A_10 : vector<2000x1xf32>
    %gt3A = arith.constant 0.000000e+00 : f32
    %gt3A_12 = vector.broadcast %gt3A : f32 to vector<2000x1xf32>
    %gt3A_13 = arith.cmpf ogt, %add3A_11, %gt3A_12 : vector<2000x1xf32>
    %div3A = arith.constant 1.000000e+00 : f32
    %div3A_14 = vector.broadcast %div3A : f32 to vector<2000x1xf32>
    %div3A_15 = arith.divf %div3A_14, %add3A_11 : vector<2000x1xf32>
    %jit3A = arith.constant 0.000000e+00 : f32
    %broadcast_in_dim3A = vector.broadcast %jit3A : f32 to vector<2000x1xf32>
    %select_n3A = arith.select %gt3A_13, %div3A_15, %broadcast_in_dim3A : vector<2000x1xi1>, vector<2000x1xf32>
    %mul3A = vector.broadcast %select_n3A : vector<2000x1xf32> to vector<2000x128xf32>
    %mul3A_16 = arith.mulf %add3A, %mul3A : vector<2000x128xf32>
    %get3A_17 = arith.constant 0 : index
    %get3A_18 = arith.constant 0 : index
    %get3A_19 = vector.load %arg5[%get3A_17, %get3A_18] : memref<256x128xf32, #tpu.memory_space<vmem>>, vector<256x128xf32>
    %dot_general3A = arith.constant dense<0.000000e+00> : vector<2000x256xf32>
    %dot_general3A_20 = tpu.matmul %mul3A_16, %get3A_19, %dot_general3A {dimension_numbers = #tpu.dot_dimension_numbers<[1], [1], [0], [0], [0, 0, 1, 0], [], []>, transpose_lhs_hint = false} : vector<2000x128xf32>, vector<256x128xf32>, vector<2000x256xf32> -> vector<2000x256xf32>
    %get3A_21 = arith.constant 0 : index
    %get3A_22 = arith.constant 0 : index
    %get3A_23 = vector.load %arg6[%get3A_21, %get3A_22] : memref<1x256xf32, #tpu.memory_space<vmem>>, vector<1x256xf32>
    %add3A_24 = vector.broadcast %get3A_23 : vector<1x256xf32> to vector<2000x256xf32>
    %add3A_25 = arith.addf %dot_general3A_20, %add3A_24 : vector<2000x256xf32>
    %max3A = arith.constant 0.000000e+00 : f32
    %max3A_26 = vector.broadcast %max3A : f32 to vector<2000x256xf32>
    %max3A_27 = arith.maximumf %add3A_25, %max3A_26 : vector<2000x256xf32>
    %get3A_28 = arith.constant 0 : index
    %get3A_29 = arith.constant 0 : index
    %get3A_30 = vector.load %arg7[%get3A_28, %get3A_29] : memref<128x256xf32, #tpu.memory_space<vmem>>, vector<128x256xf32>
    %dot_general3A_31 = arith.constant dense<0.000000e+00> : vector<2000x128xf32>
    %dot_general3A_32 = tpu.matmul %max3A_27, %get3A_30, %dot_general3A_31 {dimension_numbers = #tpu.dot_dimension_numbers<[1], [1], [0], [0], [0, 0, 1, 0], [], []>, transpose_lhs_hint = false} : vector<2000x256xf32>, vector<128x256xf32>, vector<2000x128xf32> -> vector<2000x128xf32>
    %swap3A = arith.constant 0 : index
    %swap3A_33 = arith.constant 0 : index
    %swap3A_34 = vector.load %arg8[%swap3A, %swap3A_33] : memref<2000x128xf32, #tpu.memory_space<vmem>>, vector<2000x128xf32>
    tpu.vector_store %arg8[%swap3A, %swap3A_33], %dot_general3A_32 {strides = array<i32>} : memref<2000x128xf32, #tpu.memory_space<vmem>>, vector<2000x128xf32>,
    return
  }
  func.func @transform_0(%arg0: i32) -> (i32, i32) {
    %c0_i32 = arith.constant 0 : i32
    %c0_i32_0 = arith.constant 0 : i32
    return %arg0, %c0_i32 : i32, i32
  }
  func.func @transform_1(%arg0: i32) -> (i32, i32) {
    %c0_i32 = arith.constant 0 : i32
    %c0_i32_0 = arith.constant 0 : i32
    return %arg0, %c0_i32 : i32, i32
  }
  func.func @transform_2(%arg0: i32) -> (i32, i32) {
    %c0_i32 = arith.constant 0 : i32
    %c0_i32_0 = arith.constant 0 : i32
    return %arg0, %c0_i32 : i32, i32
  }
  func.func @transform_3(%arg0: i32) -> (i32, i32) {
    %c0_i32 = arith.constant 0 : i32
    %c0_i32_0 = arith.constant 0 : i32
    return %arg0, %c0_i32 : i32, i32
  }
  func.func @transform_4(%arg0: i32) -> (i32, i32) {
    %c0_i32 = arith.constant 0 : i32
    %c0_i32_0 = arith.constant 0 : i32
    %c0_i32_1 = arith.constant 0 : i32
    return %c0_i32, %c0_i32_0 : i32, i32
  }
  func.func @transform_5(%arg0: i32) -> (i32, i32) {
    %c0_i32 = arith.constant 0 : i32
    %c0_i32_0 = arith.constant 0 : i32
    %c0_i32_1 = arith.constant 0 : i32
    return %c0_i32, %c0_i32_0 : i32, i32
  }
  func.func @transform_6(%arg0: i32) -> (i32, i32) {
    %c0_i32 = arith.constant 0 : i32
    %c0_i32_0 = arith.constant 0 : i32
    %c0_i32_1 = arith.constant 0 : i32
    return %c0_i32, %c0_i32_0 : i32, i32
  }
  func.func @transform_7(%arg0: i32) -> (i32, i32) {
    %c0_i32 = arith.constant 0 : i32
    %c0_i32_0 = arith.constant 0 : i32
    return %arg0, %c0_i32 : i32, i32
  }
}

module attributes {stable_mosaic.version = 14 : i64} {
  func.func @_finish_body(%arg0: i32, %arg1: memref<2000x128xf32, #tpu.memory_space<vmem>>, %arg2: memref<2000x128xf32, #tpu.memory_space<vmem>>, %arg3: memref<2000x1xf32, #tpu.memory_space<vmem>>, %arg4: memref<2000x1xf32, #tpu.memory_space<vmem>>, %arg5: memref<1x128xf32, #tpu.memory_space<vmem>>, %arg6: memref<2000x128xf32, #tpu.memory_space<vmem>>) attributes {dimension_semantics = [#tpu.dimension_semantics<arbitrary>], iteration_bounds = array<i64: 5>, scalar_prefetch = 0 : i64, scratch_operands = 0 : i64, tpu.core_type = #tpu.core_type<tc>, window_params = [{transform_indices = @transform_0, window_bounds = array<i64: 2000, 128>}, {transform_indices = @transform_1, window_bounds = array<i64: 2000, 128>}, {transform_indices = @transform_2, window_bounds = array<i64: 2000, 1>}, {transform_indices = @transform_3, window_bounds = array<i64: 2000, 1>}, {pipeline_mode = #tpu.pipeline_mode<synchronous>, transform_indices = @transform_4, window_bounds = array<i64: 1, 128>}, {transform_indices = @transform_5, window_bounds = array<i64: 2000, 128>}]} {
    %get3A = arith.constant 0 : index
    %get3A_0 = arith.constant 0 : index
    %get3A_1 = vector.load %arg1[%get3A, %get3A_0] : memref<2000x128xf32, #tpu.memory_space<vmem>>, vector<2000x128xf32>
    %get3A_2 = arith.constant 0 : index
    %get3A_3 = arith.constant 0 : index
    %get3A_4 = vector.load %arg2[%get3A_2, %get3A_3] : memref<2000x128xf32, #tpu.memory_space<vmem>>, vector<2000x128xf32>
    %add3A = arith.addf %get3A_1, %get3A_4 : vector<2000x128xf32>
    %get3A_5 = arith.constant 0 : index
    %get3A_6 = arith.constant 0 : index
    %get3A_7 = vector.load %arg3[%get3A_5, %get3A_6] : memref<2000x1xf32, #tpu.memory_space<vmem>>, vector<2000x1xf32>
    %get3A_8 = arith.constant 0 : index
    %get3A_9 = arith.constant 0 : index
    %get3A_10 = vector.load %arg4[%get3A_8, %get3A_9] : memref<2000x1xf32, #tpu.memory_space<vmem>>, vector<2000x1xf32>
    %add3A_11 = arith.addf %get3A_7, %get3A_10 : vector<2000x1xf32>
    %gt3A = arith.constant 0.000000e+00 : f32
    %gt3A_12 = vector.broadcast %gt3A : f32 to vector<2000x1xf32>
    %gt3A_13 = arith.cmpf ogt, %add3A_11, %gt3A_12 : vector<2000x1xf32>
    %div3A = arith.constant 1.000000e+00 : f32
    %div3A_14 = vector.broadcast %div3A : f32 to vector<2000x1xf32>
    %div3A_15 = arith.divf %div3A_14, %add3A_11 : vector<2000x1xf32>
    %jit3A = arith.constant 0.000000e+00 : f32
    %broadcast_in_dim3A = vector.broadcast %jit3A : f32 to vector<2000x1xf32>
    %select_n3A = arith.select %gt3A_13, %div3A_15, %broadcast_in_dim3A : vector<2000x1xi1>, vector<2000x1xf32>
    %mul3A = vector.broadcast %select_n3A : vector<2000x1xf32> to vector<2000x128xf32>
    %mul3A_16 = arith.mulf %add3A, %mul3A : vector<2000x128xf32>
    %get3A_17 = arith.constant 0 : index
    %get3A_18 = arith.constant 0 : index
    %get3A_19 = vector.load %arg5[%get3A_17, %get3A_18] : memref<1x128xf32, #tpu.memory_space<vmem>>, vector<1x128xf32>
    %add3A_20 = vector.broadcast %get3A_19 : vector<1x128xf32> to vector<2000x128xf32>
    %add3A_21 = arith.addf %mul3A_16, %add3A_20 : vector<2000x128xf32>
    %mul3A_22 = arith.mulf %add3A_21, %add3A_21 : vector<2000x128xf32>
    %reduce_sum3A = arith.constant dense<0.000000e+00> : vector<2000xf32>
    %reduce_sum3A_23 = vector.multi_reduction <add>, %mul3A_22, %reduce_sum3A [1] : vector<2000x128xf32> to vector<2000xf32>
    %broadcast_in_dim3A_24 = vector.shape_cast %reduce_sum3A_23 : vector<2000xf32> to vector<2000x1xf32>
    %sqrt3A = math.sqrt %broadcast_in_dim3A_24 : vector<2000x1xf32>
    %max3A = arith.constant 9.99999996E-13 : f32
    %max3A_25 = vector.broadcast %max3A : f32 to vector<2000x1xf32>
    %max3A_26 = arith.maximumf %sqrt3A, %max3A_25 : vector<2000x1xf32>
    %div3A_27 = vector.broadcast %max3A_26 : vector<2000x1xf32> to vector<2000x128xf32>
    %div3A_28 = arith.divf %add3A_21, %div3A_27 : vector<2000x128xf32>
    %swap3A = arith.constant 0 : index
    %swap3A_29 = arith.constant 0 : index
    %swap3A_30 = vector.load %arg6[%swap3A, %swap3A_29] : memref<2000x128xf32, #tpu.memory_space<vmem>>, vector<2000x128xf32>
    tpu.vector_store %arg6[%swap3A, %swap3A_29], %div3A_28 {strides = array<i32>} : memref<2000x128xf32, #tpu.memory_space<vmem>>, vector<2000x128xf32>,
    return
  }
  func.func @transform_0(%arg0: i32) -> (i32, i32) {
    %c0_i32 = arith.constant 0 : i32
    %c0_i32_0 = arith.constant 0 : i32
    return %arg0, %c0_i32 : i32, i32
  }
  func.func @transform_1(%arg0: i32) -> (i32, i32) {
    %c0_i32 = arith.constant 0 : i32
    %c0_i32_0 = arith.constant 0 : i32
    return %arg0, %c0_i32 : i32, i32
  }
  func.func @transform_2(%arg0: i32) -> (i32, i32) {
    %c0_i32 = arith.constant 0 : i32
    %c0_i32_0 = arith.constant 0 : i32
    return %arg0, %c0_i32 : i32, i32
  }
  func.func @transform_3(%arg0: i32) -> (i32, i32) {
    %c0_i32 = arith.constant 0 : i32
    %c0_i32_0 = arith.constant 0 : i32
    return %arg0, %c0_i32 : i32, i32
  }
  func.func @transform_4(%arg0: i32) -> (i32, i32) {
    %c0_i32 = arith.constant 0 : i32
    %c0_i32_0 = arith.constant 0 : i32
    %c0_i32_1 = arith.constant 0 : i32
    return %c0_i32, %c0_i32_0 : i32, i32
  }
  func.func @transform_5(%arg0: i32) -> (i32, i32) {
    %c0_i32 = arith.constant 0 : i32
    %c0_i32_0 = arith.constant 0 : i32
    return %arg0, %c0_i32 : i32, i32
  }
}

</mosaic_0001>

<sc_bundles>
// kernel: kernel.6.cloned.1.call-start
scs
__scs_entry_jumppad:
0x0: {  	(pc) =	sbr.rel $0x88, $3  }
0x1: {  	(tag) =	ssettag $0x0;
	lr =	simm.s32 $0x1  }
0x2: {  	[smem:$0x3F9B] =	sst lr;
	_ =	strace $0xD0000000  }
0x3: {  	_ = 	snop  }
0x4: {  	_ = 	snop  }
0x5: {  	_ = 	snop  }
0x6: {  	_ = 	snop  }
0x7: {  	_ = 	snop  }
__scs_overlays_trampoline_lowered:
0x8: {  	[smem:$0x3FAA] =	sst s0  }
0x9: {  	[smem:$0x3FAB] =	sst s1  }
0xa: {  	[smem:$0x3FAC] =	sst s2  }
0xb: {  	[smem:$0x3FAD] =	sst s3  }
0xc: {  	[smem:$0x3FAE] =	sst s4  }
0xd: {  	[smem:$0x3FAF] =	sst s5  }
0xe: {  	[smem:$0x3FB0] =	sst s6  }
0xf: {  	[smem:$0x3FB1] =	sst s7  }
0x10: {  	[smem:$0x3FB2] =	sst s8  }
0x11: {  	[smem:$0x3FB3] =	sst s9;
	s0 =	simm.s32 @!p0 $0x0  }
0x12: {  	s1 =	sld [smem:$0x3F99];
	s0 =	simm.s32 @p0 $0x1  }
0x13: {  	[smem:$0x3FB4] =	sst s0;
	s0 =	simm.s32 @!p1 $0x0  }
0x14: {  	s2 =	sld [smem:$0x3F98];
	s0 =	simm.s32 @p1 $0x1  }
0x15: {  	[smem:$0x3FB5] =	sst s0;
	s0 =	simm.s32 @!p2 $0x0  }
0x16: {  	s3 =	sld [smem:$0x3FDB];
	s0 =	simm.s32 @p2 $0x1  }
0x17: {  	s4 =	simm.s32 $0x1BF5;
	[smem:$0x3FB7] =	sst s0  }
0x18: {  	s0 =	sld [smem:$0x3F9A];
	_ =	swait.ge [sflag:s4], $0x0  }
0x19: {  	s7 =	sld [smem:$0x3F9B]  }
0x1a: {  	s8 =	sadd.s32 $0xFFFFE003, lr  }
0x1b: {  	s9 =	sadd.s32 $0xFFFFFEF7, lr;
	s5 =	simm.s32 $0xFFFFFFFF;
	p2 =	slt.u32 s8, $0xFFFFF086  }
0x1c: {  	p1 =	slt.u32 s9, $0xF7A;
	s5 =	simm.s32 @!p2 $0x0  }
0x1d: {  	s5 =	simm.s32 @p1 $0x1;
	p0 =	seq.s32 s7, s2  }
0x1e: {  	s7 =	smul.u32 @!p0 $0xF7A, s2;
	p2 =	seq.s32 @!p0 s5, $0x0  }
0x1f: {  	s9 =	smul.u32 $0xF7A, s1;
	s8 =	simm.s32 @!p0 $0x1BF5;
	p2 =	por !p2, p0  }
0x20: {  	[sflag:s8] =	ssyncset.s32 @!p0 $0xFFFFF086;
	s6 =	sadd.s32 @!p0 s3, s7;
	s7 =	simm.s32 @!p0 $0x108  }
0x21: {  	s3 =	sadd.s32 s3, s9;
	s6 =	sadd.s32 @!p0 $0x88, s6;
	s7 =	simm.s32 @p2 $0x1082  }
0x22: {  	[simem:s7], [sflag:s8] =	dma.local @!p0 [hbm:s6], $0xF7A  }
0x23: {  	s9 =	sor.u32 $0xD0000000, s2;
	s6 =	simm.s32 $0x108;
	_ =	swait.ge @!p0 [sflag:s8], $0x0  }
0x24: {  	s3 =	sadd.s32 $0x88, s3;
	s6 =	simm.s32 @!p1 $0x1082;
	[sflag:s4] =	ssyncset.s32 $0xFFFFF086  }
0x25: {  	[simem:s6], [sflag:s4] =	dma.local [hbm:s3], $0xF7A  }
0x26: {  	[smem:$0x3F9B] =	sst s1;
	(tag) =	ssettag s2;
	_ =	strace s9  }
0x27: {  	s1 =	sld [smem:$0x3FAB]  }
0x28: {  	s2 =	sld [smem:$0x3FAC]  }
0x29: {  	s4 =	sld [smem:$0x3FAE]  }
0x2a: {  	p0 =	seq.s32 s5, $0x0;
	s5 =	sld [smem:$0x3FAF]  }
0x2b: {  	s6 =	sld [smem:$0x3FB0]  }
0x2c: {  	s7 =	sld [smem:$0x3FB1]  }
0x2d: {  	s3 =	simm.s32 $0x108;
	s8 =	sld [smem:$0x3FB2]  }
0x2e: {  	s3 =	simm.s32 @!p0 $0x1082;
	s9 =	sld [smem:$0x3FB3]  }
0x2f: {  	lr =	sadd.s32 s0, s3;
	s0 =	sld [smem:$0x3FAA]  }
0x30: {  	s3 =	sld [smem:$0x3FAD]  }
0x31: {  	[smem:$0x3FB6] =	sst s10  }
0x32: {  	s10 =	sld [smem:$0x3FB4];
	_ =	sdelay $0x3  }
0x33: {  	p0 =	seq.s32 s10, $0x1;
	s10 =	sld [smem:$0x3FB6];
	_ =	sdelay $0x3  }
0x34: {  	[smem:$0x3FB6] =	sst s10  }
0x35: {  	s10 =	sld [smem:$0x3FB5];
	_ =	sdelay $0x3  }
0x36: {  	p1 =	seq.s32 s10, $0x1;
	s10 =	sld [smem:$0x3FB6];
	_ =	sdelay $0x3  }
0x37: {  	[smem:$0x3FB6] =	sst s10  }
0x38: {  	s10 =	sld [smem:$0x3FB7]  }
0x39: {  	_ = 	snop;
	(pc) =	sbr.ind lr, $3  }
0x3a: {  	_ = 	snop  }
0x3b: {  	_ = 	snop  }
0x3c: {  	p2 =	seq.s32 s10, $0x1;
	s10 =	sld [smem:$0x3FB6]  }
0x3d: {  	_ =	shalt  }
0x3e: {  	_ =	shalt  }
0x3f: {  	_ =	shalt  }
0x40: {  	_ =	shalt  }
0x41: {  	_ =	shalt  }
0x42: {  	_ =	shalt  }
0x43: {  	_ =	shalt  }
0x44: {  	_ =	shalt  }
0x45: {  	_ =	shalt  }
0x46: {  	_ =	shalt  }
0x47: {  	_ =	shalt  }
0x48: {  	_ =	shalt  }
0x49: {  	_ =	shalt  }
0x4a: {  	_ =	shalt  }
0x4b: {  	_ =	shalt  }
0x4c: {  	_ =	shalt  }
0x4d: {  	_ =	shalt  }
0x4e: {  	_ =	shalt  }
0x4f: {  	_ =	shalt  }
0x50: {  	_ =	shalt  }
0x51: {  	_ =	shalt  }
0x52: {  	_ =	shalt  }
0x53: {  	_ =	shalt  }
0x54: {  	_ =	shalt  }
0x55: {  	_ =	shalt  }
0x56: {  	_ =	shalt  }
0x57: {  	_ =	shalt  }
0x58: {  	_ =	shalt  }
0x59: {  	_ =	shalt  }
0x5a: {  	_ =	shalt  }
0x5b: {  	_ =	shalt  }
0x5c: {  	_ =	shalt  }
0x5d: {  	_ =	shalt  }
0x5e: {  	_ =	shalt  }
0x5f: {  	_ =	shalt  }
0x60: {  	_ =	shalt  }
0x61: {  	_ =	shalt  }
0x62: {  	_ =	shalt  }
0x63: {  	_ =	shalt  }
0x64: {  	_ =	shalt  }
0x65: {  	_ =	shalt  }
0x66: {  	_ =	shalt  }
0x67: {  	_ =	shalt  }
0x68: {  	_ =	shalt  }
0x69: {  	_ =	shalt  }
0x6a: {  	_ =	shalt  }
0x6b: {  	_ =	shalt  }
0x6c: {  	_ =	shalt  }
0x6d: {  	_ =	shalt  }
0x6e: {  	_ =	shalt  }
0x6f: {  	_ =	shalt  }
0x70: {  	_ =	shalt  }
0x71: {  	_ =	shalt  }
0x72: {  	_ =	shalt  }
0x73: {  	_ =	shalt  }
0x74: {  	_ =	shalt  }
0x75: {  	_ =	shalt  }
0x76: {  	_ =	shalt  }
0x77: {  	_ =	shalt  }
0x78: {  	_ =	shalt  }
0x79: {  	_ =	shalt  }
0x7a: {  	_ =	shalt  }
0x7b: {  	_ =	shalt  }
0x7c: {  	_ =	shalt  }
0x7d: {  	_ =	shalt  }
0x7e: {  	_ =	shalt  }
0x7f: {  	_ =	shalt  }
0x80: {  	_ =	shalt  }
0x81: {  	_ =	shalt  }
0x82: {  	_ =	shalt  }
0x83: {  	_ =	shalt  }
0x84: {  	_ =	shalt  }
0x85: {  	_ =	shalt  }
0x86: {  	_ =	shalt  }
0x87: {  	_ =	shalt  }
.Lfunc_end0:
.L_simem_size_0:
called_computation_lowered:
.L_overlay_start_0:
0x88: {  	s2 =	sld [smem:$0x3FD9]  }
0x89: {  	s3 =	sld [smem:$0x3FFE];
	_ =	sdelay $0x1  }
0x8a: {  	s1 =	srdreg.scid  }
0x8b: {  	s0 =	sand.u32 $0x1, s1  }
0x8c: {  	s17 =	sshll.u32 s0, $0xA;
	s2 =	sadd.s32 s3, s2  }
0x8d: {  	s2 =	sadd.s32 s2, s17  }
0x8e: {  	[smem:$0x3FC2] =	sst s2  }
0x8f: {  	_ = 	snop  }
0x90: {  	s2 =	sld [smem:$0x3FC9]  }
0x91: {  	s18 =	sld [smem:$0x3FC8]  }
0x92: {  	s4 =	sld [smem:$0x3FD0];
	(tm) =	ssettm $0x1  }
0x93: {  	s5 =	sld [smem:$0x3FFB];
	_ =	sdelay $0x3  }
0x94: {  	_ =	strace s5  }
0x95: {  	s5 =	sld [smem:$0x3FFC];
	_ =	sdelay $0x3  }
0x96: {  	_ =	strace s5  }
0x97: {  	s5 =	sld [smem:$0x3FFD];
	_ =	sdelay $0x3  }
0x98: {  	_ =	strace s5  }
0x99: {  	_ =	strace $0x8FFFFFFF  }
0x9a: {  	s19 =	sld [smem:$0x3FDB];
	_ =	sdelay $0x1  }
0x9b: {  	s6 =	simm.s32 $_scs_section_size  }
0x9c: {  	s7 =	simm.s32 $_size__tile_overlayer_lowered;
	s8 =	simm.s32 $_tile_overlayer_lowered  }
0x9d: {  	s22 =	simm.s32 $0x1BFF;
	s21 =	sshll.u32 s8, $0x1;
	s5 =	sadd.s32 s6, s19  }
0x9e: {  	s9 =	simm.s32 $0x0;
	s20 =	sshll.u32 s7, $0x1;
	s7 =	sadd.s32 s21, s5  }
0x9f: {  	[timem:s9], [sflag:s22] =	dma.local [hbm:s7], s20  }
0xa0: {  	_ =	swait.ge [sflag:s22], s20  }
0xa1: {  	s6 =	ssub.s32 $0x0, s20;
	[sflag:s22] =	ssyncset.done $0x0  }
0xa2: {  	[sflag:s22] =	ssyncadd.s32 s6;
	_ =	sdelay $0x1  }
0xa3: {  	s23 =	simm.s32 $0x1B8B  }
0xa4: {  	_ =	swait.ge [sflag:s23], $0x1  }
0xa5: {  	[sflag:s23] =	ssyncset.done $0x0  }
0xa6: {  	s25 =	simm.s32 $0x1B8E;
	s24 =	sld [smem:$0x3FFE];
	[sflag:s23] =	ssyncadd.s32 $0xFFFFFFFF  }
0xa7: {  	s26 =	simm.s32 $execute0_lowered;
	[smem:$0x3FD2] =	sst s25  }
0xa8: {  	s7 =	sshll.u32 s26, $0x1;
	_ =	strace $0x80000046;
	[dreg:$0x1] =	wrdreg $0xFFFFFFFF  }
0xa9: {  	s28 =	simm.s32 $_size_execute0_lowered;
	s5 =	sadd.s32 s5, s7;
	[dreg:$0x0] =	wrdreg $0x0  }
0xaa: {  	s7 =	sshll.u32 s28, $0x1;
	[dreg:$0x2] =	wrdreg s5  }
0xab: {  	[dreg:$0x3] =	wrdreg s7  }
0xac: {  	[dreg:$0x4] =	wrdreg $0xC0  }
0xad: {  	_ =	task [dreg:s9], $0x5FFFF  }
0xae: {  	[dreg:$0x1] =	wrdreg $0xFFFFFFFF  }
0xaf: {  	[dreg:$0x0] =	wrdreg $0x60  }
0xb0: {  	[dreg:$0x2] =	wrdreg s2  }
0xb1: {  	[dreg:$0x3] =	wrdreg s18  }
0xb2: {  	[dreg:$0x4] =	wrdreg s24  }
0xb3: {  	[dreg:$0x5] =	wrdreg s4  }
0xb4: {  	[dreg:$0x6] =	wrdreg $0x0  }
0xb5: {  	[dreg:$0x7] =	wrdreg $0x1C2000  }
0xb6: {  	[dreg:$0x8] =	wrdreg $0x9  }
0xb7: {  	_ =	task.clear_ibuf [dreg:s9], $0x9FFFF;
	_ =	strace $0x90000046  }
0xb8: {  	s29 =	simm.s32 $0x9;
	_ =	strace $0x80000048  }
0xb9: {  	_ =	swait.ge [sflag:s29], $0x1  }
0xba: {  	[sflag:s29] =	ssyncadd.s32 $0xFFFFFFFF  }
0xbb: {  	_ =	strace $0x90000048  }
0xbc: {  	_ =	sfence  }
0xbd: {  	s30 =	sld [smem:$0x0];
	_ =	sdelay $0x2  }
0xbe: {  	s31 =	sshll.u32 s1, $0xD;
	s1 =	sshrl.u32 s1, $0x2  }
0xbf: {  	s3 =	sand.u32 $0x4000, s31;
	s1 =	sadd.s32 s1, s30  }
0xc0: {  	s0 =	sor.u32 s3, s0;
	s1 =	sshll.u32 s1, $0x11  }
0xc1: {  	s0 =	sor.u32 s1, s0  }
0xc2: {  	s0 =	sadd.s32 $0x8F2B, s0  }
0xc3: {  	[sflag:s0] =	ssyncadd.remote.s32 $0x1  }
0xc4: {  	_ =	sfence.sel $0xFFFF  }
0xc5: {  	[dreg:$0x0] =	wrdreg $0xFFFFFFFF;
	(pc) =	sbr.abs _section_cstart, $3  }
0xc6: {  	[dreg:$0x1] =	wrdreg $0xFFFFFFFF  }
0xc7: {  	_ =	task.clear_ibuf [dreg:s9], $0x2FFFF;
	_ =	strace $0x9FFFFFFF  }
0xc8: {  	(tm) =	ssettm $0x7FFFFFFF  }
0xc9: {  	_ =	shalt  }
tec
execute0_lowered:
.L_overlay_start_1:
0x0: {  	(tag) =	ssettag $0x1  }
0x1: {  	s1 =	rddreg [dreg:$0x0]  }
0x2: {  	s0 =	rddreg [dreg:$0x1]  }
0x3: {  	s4 =	rddreg [dreg:$0x2]  }
0x4: {  	s11 =	rddreg [dreg:$0x3]  }
0x5: {  	s2 =	rddreg [dreg:$0x4]  }
0x6: {  	s3 =	rddreg [dreg:$0x5]  }
0x7: {  	s5 =	simm.s32 $0x0;
	s7 =	srdreg.scid;
	s6 =	stileid.u32  }
0x8: {  	s19 =	simm.s32 $0x14200;
	s20 =	simm.s32 $0x14100;
	s28 =	simm.s32 $0x2  }
0x9: {  	s29 =	simm.s32 $0x14180;
	[smem:$0x7FF] =	sst s5;
	s8 =	sadd.s32 $0x3400, s4  }
0xa: {  	s10 =	sand.u32 $0x1, s7;
	s21 =	smul.u32 $0x50000, s6;
	s22 =	sadd.s32 $0x3200, s4  }
0xb: {  	s12 =	sadd.s32 $0x5C00, s4;
	s4 =	sadd.s32 $0x2DC00, s4;
	s15 =	smul.u32 $0xA00, s6  }
0xc: {  	p0 =	slt.u32 s6, $0x2;
	s17 =	sshll.u32 s6, $0x6;
	s18 =	smin.u32 s6, $0x2  }
0xd: {  	s26 =	smul.u32 $0x2800, s6;
	_ =	strace $0x80000047;
	[dreg:$0x7] =	wrdreg s8  }
0xe: {  	[dreg:$0x8] =	wrdreg s22;
	s9 =	ssub.s32 $0x2, s10;
	s25 =	sshll.u32 s10, $0x4  }
0xf: {  	s22 =	simm.s32 $0x18200;
	s13 =	sshrl.u32 s9, $0x1;
	s8 =	sshrl.u32 s21, $0x2  }
0x10: {  	s15 =	sshrl.u32 s15, $0x2;
	s21 =	simm.s32 $0x4;
	s13 =	ssub.s32 s9, s13  }
0x11: {  	s14 =	sadd.s32 s8, s2;
	s9 =	smul.u32 $0x4E, s6;
	s8 =	simm.s32 $0x4F  }
0x12: {  	s23 =	sadd.s32 s15, s3;
	s15 =	simm.s32 $0x3;
	s8 =	simm.s32 @!p0 $0x4E  }
0x13: {  	p0 =	seq.s32 s10, $0x0;
	s31 =	smax.u32 s13, $0x1;
	s14 =	sshrl.u32 s14, $0x3  }
0x14: {  	s16 =	sadd.s32 $0x4E2, s9;
	[dreg:$0x9] =	wrdreg s31;
	s4 =	smov.u32 @p0 s12  }
0x15: {  	s16 =	smov.u32 @p0 s9;
	s9 =	sor.u32 $0x1C03, s17;
	s12 =	sadd.s32 s4, s26  }
0x16: {  	s17 =	simm.s32 $0x14000;
	p0 =	sgt.u32 s6, $0x1;
	s16 =	sadd.s32 s18, s16  }
0x17: {  	s26 =	simm.s32 $0x1C480;
	s18 =	simm.s32 $0x80;
	s24 =	sshll.u32 s16, $0x5  }
0x18: {  	s10 =	sadd.s32 s0, s24;
	s24 =	sadd.s32 s11, s25;
	s25 =	smul.u32 $0xA0, s6  }
0x19: {  	s16 =	sshrl.u32 s23, $0x3;
	s23 =	simm.s32 $0x1;
	s0 =	simm.s32 $0x0  }
0x1a: {  	v0 =	vimm.f32 $1.000000000e+00;
	s30 =	sadd.s32 $0x20, s10;
	s24 =	sadd.s32 s25, s24;
	s25 =	simm.s32 $0x14080  }
.LBB2_1:
0x1b: {  	s4 =	rddreg [dreg:$0x7]  }
0x1c: {  	[spmem:s14], [sflag:s9] =	dma.local [hbm:s4], $0x2800  }
0x1d: {  	_ =	swait.ge [sflag:s15], $0x2800  }
0x1e: {  	[sflag:s15] =	ssyncset.done $0x0  }
0x1f: {  	s31 =	rddreg [dreg:$0x8];
	[sflag:s15] =	ssyncadd.s32 $0xFFFFD800  }
0x20: {  	[spmem:s16], [sflag:s9] =	dma.local [hbm:s31], $0x50  }
0x21: {  	_ =	swait.ge [sflag:s15], $0x50  }
0x22: {  	[sflag:s15] =	ssyncset.done $0x0  }
0x23: {  	[sflag:s15] =	ssyncadd.s32 $0xFFFFFFB0  }
0x24: {  	[tilespmem:$0x1C480] =	vst v0  }
0x25: {  	[tilespmem:$0x1C490] =	vst v0  }
0x26: {  	[tilespmem:$0x1C4A0] =	vst v0  }
0x27: {  	[tilespmem:$0x1C4B0] =	vst v0  }
0x28: {  	[tilespmem:$0x1C4C0] =	vst v0  }
0x29: {  	[tilespmem:$0x1C4D0] =	vst v0  }
0x2a: {  	[tilespmem:$0x1C4E0] =	vst v0  }
0x2b: {  	[tilespmem:$0x1C4F0] =	vst v0  }
0x2c: {  	[bflag:$0x0] =	sbarrier.arrive $0xFFFF  }
0x2d: {  	[tilespmem:s17], [sflag:$0x3] =	stream.linear.gather [hbm4b:s10+s5], $0x100, $0x38;
	[tilespmem:$0x1C500] =	vst v63  }
0x2e: {  	_ =	swait.ge [sflag:s15], $0x100  }
0x2f: {  	[sflag:s15] =	ssyncset.done $0x0  }
0x30: {  	[sflag:s15] =	ssyncadd.s32 $0xFFFFFF00  }
0x31: {  	[tilespmem:s19], [sflag:$0x1] =	stream.indirect.gather [hbm4b:s1+s18], $0x80, s17, s18, $0xb8;
	[tilespmem:$0x1C500] =	vst v63  }
0x32: {  	_ = 	snop  }
0x33: {  	[tilespmem:s20], [sflag:$0x4] =	stream.linear.gather [hbm4b:s30+s5], $0x100, $0x38;
	[tilespmem:$0x1C500] =	vst v63  }
0x34: {  	_ =	swait.ge [sflag:s21], $0x100  }
0x35: {  	[sflag:s21] =	ssyncset.done $0x0  }
0x36: {  	[sflag:s21] =	ssyncadd.s32 $0xFFFFFF00  }
0x37: {  	[tilespmem:s22], [sflag:$0x2] =	stream.indirect.gather [hbm4b:s1+s18], $0x80, s20, s18, $0xb8;
	[tilespmem:$0x1C500] =	vst v63  }
0x38: {  	_ =	swait.ge [sflag:s23], $0x4000  }
0x39: {  	[sflag:s23] =	ssyncset.done $0x0  }
0x3a: {  	[sflag:s23] =	ssyncadd.s32 $0xFFFFC000  }
0x3b: {  	[spmem:s2] =	stream.indirect.scatter.add.f32 [tilespmem:s19], [sflag:$0x4], $0x80, s25, s18, $0xb8;
	[tilespmem:$0x1C500] =	vst v63  }
0x3c: {  	_ =	swait.ge [sflag:s21], $0x4000  }
0x3d: {  	[sflag:s21] =	ssyncset.done $0x0  }
0x3e: {  	[sflag:s21] =	ssyncadd.s32 $0xFFFFC000  }
0x3f: {  	[spmem:s3] =	stream.indirect.scatter.add.f32 [tilespmem:s26], [sflag:$0x4], $0x1, s25, s18, $0xb8;
	[tilespmem:$0x1C500] =	vst v63  }
0x40: {  	p1 =	sle.u32 s8, $0x2;
	_ =	swait.ge [sflag:s21], $0x80  }
0x41: {  	s4 =	sadd.s32 @!p1 $0x20, s30;
	[sflag:s21] =	ssyncset.done $0x0  }
0x42: {  	s13 =	simm.s32 @!p1 $0x0;
	s31 =	simm.s32 @!p1 $0x14000;
	[sflag:s21] =	ssyncadd.s32 $0xFFFFFF80  }
0x43: {  	[tilespmem:s31], [sflag:$0x4] =	stream.linear.gather @!p1 [hbm4b:s4+s13], $0x100, $0x38;
	[tilespmem:$0x1C500] =	vst v63  }
0x44: {  	s4 =	simm.s32 @!p1 $0x4  }
0x45: {  	_ =	swait.ge @!p1 [sflag:s4], $0x100  }
0x46: {  	[sflag:s4] =	ssyncset.done @!p1 $0x0  }
0x47: {  	s13 =	simm.s32 @!p1 $0x80;
	[sflag:s4] =	ssyncadd.s32 @!p1 $0xFFFFFF00;
	s4 =	simm.s32 @!p1 $0x14200  }
0x48: {  	[tilespmem:s4], [sflag:$0x1] =	stream.indirect.gather @!p1 [hbm4b:s1+s13], $0x80, s31, s13, $0xb8;
	[tilespmem:$0x1C500] =	vst v63  }
0x49: {  	_ =	swait.ge [sflag:s28], $0x4000  }
0x4a: {  	[sflag:s28] =	ssyncset.done $0x0  }
0x4b: {  	[sflag:s28] =	ssyncadd.s32 $0xFFFFC000  }
0x4c: {  	[spmem:s2] =	stream.indirect.scatter.add.f32 [tilespmem:s22], [sflag:$0x4], $0x80, s29, s18, $0xb8;
	[tilespmem:$0x1C500] =	vst v63  }
0x4d: {  	_ =	swait.ge [sflag:s21], $0x4000  }
0x4e: {  	[sflag:s21] =	ssyncset.done $0x0  }
0x4f: {  	[sflag:s21] =	ssyncadd.s32 $0xFFFFC000  }
0x50: {  	[spmem:s3] =	stream.indirect.scatter.add.f32 [tilespmem:s26], [sflag:$0x3], $0x1, s29, s18, $0xb8;
	[tilespmem:$0x1C500] =	vst v63  }
0x51: {  	s4 =	simm.s32 $0x4;
	s13 =	smov.u32 s30;
	_ =	swait.ge [sflag:s15], $0x80  }
.LBB2_2:
0x52: {  	[sflag:s15] =	ssyncset.done $0x0  }
0x53: {  	s13 =	sadd.s32 $0x40, s13;
	s31 =	smov.u32 s4;
	s4 =	sadd.s32 $0x2, s4  }
0x54: {  	p1 =	sne.s32 s4, $0x50;
	[sflag:s15] =	ssyncadd.s32 $0xFFFFFF80  }
0x55: {  	[tilespmem:s20], [sflag:$0x4] =	stream.linear.gather [hbm4b:s13+s5], $0x100, $0x38;
	[tilespmem:$0x1C500] =	vst v63  }
0x56: {  	_ =	swait.ge [sflag:s21], $0x100  }
0x57: {  	[sflag:s21] =	ssyncset.done $0x0  }
0x58: {  	[sflag:s21] =	ssyncadd.s32 $0xFFFFFF00  }
0x59: {  	[tilespmem:s22], [sflag:$0x2] =	stream.indirect.gather [hbm4b:s1+s18], $0x80, s20, s18, $0xb8;
	[tilespmem:$0x1C500] =	vst v63  }
0x5a: {  	_ =	swait.ge [sflag:s23], $0x4000  }
0x5b: {  	[sflag:s23] =	ssyncset.done $0x0  }
0x5c: {  	[sflag:s23] =	ssyncadd.s32 $0xFFFFC000  }
0x5d: {  	[spmem:s2] =	stream.indirect.scatter.add.f32 [tilespmem:s19], [sflag:$0x4], $0x80, s25, s18, $0xb8;
	[tilespmem:$0x1C500] =	vst v63  }
0x5e: {  	_ =	swait.ge [sflag:s21], $0x4000  }
0x5f: {  	[sflag:s21] =	ssyncset.done $0x0  }
0x60: {  	[sflag:s21] =	ssyncadd.s32 $0xFFFFC000  }
0x61: {  	[spmem:s3] =	stream.indirect.scatter.add.f32 [tilespmem:s26], [sflag:$0x4], $0x1, s25, s18, $0xb8;
	[tilespmem:$0x1C500] =	vst v63  }
0x62: {  	p2 =	sge.u32 s31, s8;
	_ =	swait.ge [sflag:s21], $0x80  }
0x63: {  	s31 =	sadd.s32 @!p2 $0x20, s13;
	s6 =	simm.s32 @!p2 $0x0;
	[sflag:s21] =	ssyncset.done $0x0  }
0x64: {  	s7 =	simm.s32 @!p2 $0x14000;
	s11 =	simm.s32 @!p2 $0x4;
	[sflag:s21] =	ssyncadd.s32 $0xFFFFFF80  }
0x65: {  	[tilespmem:s7], [sflag:$0x4] =	stream.linear.gather @!p2 [hbm4b:s31+s6], $0x100, $0x38;
	[tilespmem:$0x1C500] =	vst v63  }
0x66: {  	_ =	swait.ge @!p2 [sflag:s11], $0x100  }
0x67: {  	s6 =	simm.s32 @!p2 $0x80;
	s31 =	simm.s32 @!p2 $0x14200;
	[sflag:s11] =	ssyncset.done @!p2 $0x0  }
0x68: {  	[sflag:s11] =	ssyncadd.s32 @!p2 $0xFFFFFF00  }
0x69: {  	[tilespmem:s31], [sflag:$0x1] =	stream.indirect.gather @!p2 [hbm4b:s1+s6], $0x80, s7, s6, $0xb8;
	[tilespmem:$0x1C500] =	vst v63  }
0x6a: {  	_ =	swait.ge [sflag:s28], $0x4000  }
0x6b: {  	[sflag:s28] =	ssyncset.done $0x0  }
0x6c: {  	[sflag:s28] =	ssyncadd.s32 $0xFFFFC000  }
0x6d: {  	[spmem:s2] =	stream.indirect.scatter.add.f32 [tilespmem:s22], [sflag:$0x4], $0x80, s29, s18, $0xb8;
	[tilespmem:$0x1C500] =	vst v63  }
.Ltmp0:
0x6e: {  	_ =	swait.ge [sflag:s21], $0x4000;
	(pc) =	sbr.rel @p1 .LBB2_2-.Ltmp0, $4  }
0x6f: {  	[sflag:s21] =	ssyncset.done $0x0  }
0x70: {  	[sflag:s21] =	ssyncadd.s32 $0xFFFFC000  }
0x71: {  	[spmem:s3] =	stream.indirect.scatter.add.f32 [tilespmem:s26], [sflag:$0x3], $0x1, s29, s18, $0xb8;
	[tilespmem:$0x1C500] =	vst v63  }
0x72: {  	_ =	swait.ge [sflag:s15], $0x80  }
0x73: {  	[sflag:s15] =	ssyncset.done $0x0  }
0x74: {  	s4 =	simm.s32 @!p0 $0x1;
	[sflag:s15] =	ssyncadd.s32 $0xFFFFFF80  }
0x75: {  	_ =	swait.ge @!p0 [sflag:s4], $0x4000  }
0x76: {  	s6 =	simm.s32 @!p0 $0x14080;
	[sflag:s4] =	ssyncset.done @!p0 $0x0  }
0x77: {  	s7 =	simm.s32 @!p0 $0x14200;
	[sflag:s4] =	ssyncadd.s32 @!p0 $0xFFFFC000;
	s4 =	simm.s32 @!p0 $0x80  }
0x78: {  	[spmem:s2] =	stream.indirect.scatter.add.f32 @!p0 [tilespmem:s7], [sflag:$0x4], $0x80, s6, s4, $0xb8;
	[tilespmem:$0x1C500] =	vst v63  }
0x79: {  	s7 =	simm.s32 @!p0 $0x4  }
0x7a: {  	_ =	swait.ge @!p0 [sflag:s7], $0x4000  }
0x7b: {  	[sflag:s7] =	ssyncset.done @!p0 $0x0  }
0x7c: {  	s11 =	simm.s32 @!p0 $0x1C480;
	[sflag:s7] =	ssyncadd.s32 @!p0 $0xFFFFC000  }
0x7d: {  	[spmem:s3] =	stream.indirect.scatter.add.f32 @!p0 [tilespmem:s11], [sflag:$0x4], $0x1, s6, s4, $0xb8;
	[tilespmem:$0x1C500] =	vst v63  }
0x7e: {  	_ =	swait.ge @!p0 [sflag:s7], $0x80  }
0x7f: {  	[sflag:s7] =	ssyncset.done @!p0 $0x0  }
0x80: {  	[sflag:s7] =	ssyncadd.s32 @!p0 $0xFFFFFF80  }
0x81: {  	[bflag:$0x0] =	sbarrier.arrive $0xFFFF  }
0x82: {  	[hbm:s12], [sflag:s9] =	dma.local [spmem:s14], $0x2800  }
0x83: {  	_ =	swait.ge [sflag:s15], $0x2800  }
0x84: {  	[sflag:s15] =	ssyncset.done $0x0  }
0x85: {  	s13 =	simm.s32 $0x10;
	s11 =	simm.s32 $0x20;
	[sflag:s15] =	ssyncadd.s32 $0xFFFFD800  }
0x86: {  	[hbm:s24@s11], [sflag:s9] =	dma.strided [spmem:s16@s13], $0x50, s23, $0x10   }
0x87: {  	_ =	swait.ge [sflag:s15], $0x50  }
0x88: {  	s0 =	sadd.s32 $0x1, s0;
	s31 =	rddreg [dreg:$0x9]  }
0x89: {  	p1 =	sne.s32 s0, s31  }
.Ltmp1:
0x8a: {  	_ = 	snop;
	(pc) =	sbr.rel @p1 .LBB2_1-.Ltmp1, $3  }
0x8b: {  	_ =	sdelay $0x1  }
0x8c: {  	[sflag:s15] =	ssyncset.done $0x0  }
0x8d: {  	[sflag:s15] =	ssyncadd.s32 $0xFFFFFFB0  }
0x8e: {  	_ =	sfence.sel $0x180000  }
0x8f: {  	[bflag:$0x0] =	sbarrier.arrive $0xFFFF  }
0x90: {  	_ =	strace $0x90000047  }
0x91: {  	s0 =	stileid.u32;
	[bflag:$0x2] =	sbarrier.arrive $0xFFFF  }
0x92: {  	p0 =	sne.s32 s0, $0x0;
	s0 =	rddreg [dreg:$0x6]  }
0x93: {  	s0 =	sadd.s32 @!p0 $0x100000, s0  }
0x94: {  	[sflag:s0] =	ssyncadd.tile.s32 @!p0 $0x1;
	_ =	shalt  }
.Lfunc_end2:
_tile_overlayer_lowered:
.L_overlay_start_2:
0x95: {  	(tag) =	ssettag $0x2  }
0x96: {  	s0 =	rddreg [dreg:$0x0];
	s2 =	stileid.u32  }
0x97: {  	s1 =	rddreg [dreg:$0x1];
	p0 =	sne.s32 s2, $0x0  }
0x98: {  	s3 =	rddreg [dreg:$0x2];
	[bflag:$0x3] =	sbarrier.arrive $0xFFFF;
	s2 =	simm.s32 @!p0 $0x1C03  }
0x99: {  	[timem:s3], [sflag:s2] =	dma.local @!p0 [hbm:s0], s1  }
0x9a: {  	s0 =	simm.s32 @!p0 $0x3  }
0x9b: {  	_ =	swait.ge @!p0 [sflag:s0], s1  }
0x9c: {  	s1 =	ssub.s32 @!p0 $0x0, s1;
	[sflag:s0] =	ssyncset.done @!p0 $0x0  }
0x9d: {  	[sflag:s0] =	ssyncadd.s32 @!p0 s1  }
0x9e: {  	[bflag:$0x3] =	sbarrier.arrive $0xFFFF  }
0x9f: {  	_ =	shalt  }

// kernel: kernel.9.cloned.1.call-start
scs
__scs_entry_jumppad:
0x0: {  	(pc) =	sbr.rel $0x88, $3  }
0x1: {  	(tag) =	ssettag $0x0;
	lr =	simm.s32 $0x1  }
0x2: {  	[smem:$0x3F9B] =	sst lr;
	_ =	strace $0xD0000000  }
0x3: {  	_ = 	snop  }
0x4: {  	_ = 	snop  }
0x5: {  	_ = 	snop  }
0x6: {  	_ = 	snop  }
0x7: {  	_ = 	snop  }
__scs_overlays_trampoline_lowered:
0x8: {  	[smem:$0x3FAA] =	sst s0  }
0x9: {  	[smem:$0x3FAB] =	sst s1  }
0xa: {  	[smem:$0x3FAC] =	sst s2  }
0xb: {  	[smem:$0x3FAD] =	sst s3  }
0xc: {  	[smem:$0x3FAE] =	sst s4  }
0xd: {  	[smem:$0x3FAF] =	sst s5  }
0xe: {  	[smem:$0x3FB0] =	sst s6  }
0xf: {  	[smem:$0x3FB1] =	sst s7  }
0x10: {  	[smem:$0x3FB2] =	sst s8  }
0x11: {  	[smem:$0x3FB3] =	sst s9;
	s0 =	simm.s32 @!p0 $0x0  }
0x12: {  	s1 =	sld [smem:$0x3F99];
	s0 =	simm.s32 @p0 $0x1  }
0x13: {  	[smem:$0x3FB4] =	sst s0;
	s0 =	simm.s32 @!p1 $0x0  }
0x14: {  	s2 =	sld [smem:$0x3F98];
	s0 =	simm.s32 @p1 $0x1  }
0x15: {  	[smem:$0x3FB5] =	sst s0;
	s0 =	simm.s32 @!p2 $0x0  }
0x16: {  	s3 =	sld [smem:$0x3FDB];
	s0 =	simm.s32 @p2 $0x1  }
0x17: {  	s4 =	simm.s32 $0x1BF5;
	[smem:$0x3FB7] =	sst s0  }
0x18: {  	s0 =	sld [smem:$0x3F9A];
	_ =	swait.ge [sflag:s4], $0x0  }
0x19: {  	s7 =	sld [smem:$0x3F9B]  }
0x1a: {  	s8 =	sadd.s32 $0xFFFFE003, lr  }
0x1b: {  	s9 =	sadd.s32 $0xFFFFFEF7, lr;
	s5 =	simm.s32 $0xFFFFFFFF;
	p2 =	slt.u32 s8, $0xFFFFF086  }
0x1c: {  	p1 =	slt.u32 s9, $0xF7A;
	s5 =	simm.s32 @!p2 $0x0  }
0x1d: {  	s5 =	simm.s32 @p1 $0x1;
	p0 =	seq.s32 s7, s2  }
0x1e: {  	s7 =	smul.u32 @!p0 $0xF7A, s2;
	p2 =	seq.s32 @!p0 s5, $0x0  }
0x1f: {  	s9 =	smul.u32 $0xF7A, s1;
	s8 =	simm.s32 @!p0 $0x1BF5;
	p2 =	por !p2, p0  }
0x20: {  	[sflag:s8] =	ssyncset.s32 @!p0 $0xFFFFF086;
	s6 =	sadd.s32 @!p0 s3, s7;
	s7 =	simm.s32 @!p0 $0x108  }
0x21: {  	s3 =	sadd.s32 s3, s9;
	s6 =	sadd.s32 @!p0 $0x88, s6;
	s7 =	simm.s32 @p2 $0x1082  }
0x22: {  	[simem:s7], [sflag:s8] =	dma.local @!p0 [hbm:s6], $0xF7A  }
0x23: {  	s9 =	sor.u32 $0xD0000000, s2;
	s6 =	simm.s32 $0x108;
	_ =	swait.ge @!p0 [sflag:s8], $0x0  }
0x24: {  	s3 =	sadd.s32 $0x88, s3;
	s6 =	simm.s32 @!p1 $0x1082;
	[sflag:s4] =	ssyncset.s32 $0xFFFFF086  }
0x25: {  	[simem:s6], [sflag:s4] =	dma.local [hbm:s3], $0xF7A  }
0x26: {  	[smem:$0x3F9B] =	sst s1;
	(tag) =	ssettag s2;
	_ =	strace s9  }
0x27: {  	s1 =	sld [smem:$0x3FAB]  }
0x28: {  	s2 =	sld [smem:$0x3FAC]  }
0x29: {  	s4 =	sld [smem:$0x3FAE]  }
0x2a: {  	p0 =	seq.s32 s5, $0x0;
	s5 =	sld [smem:$0x3FAF]  }
0x2b: {  	s6 =	sld [smem:$0x3FB0]  }
0x2c: {  	s7 =	sld [smem:$0x3FB1]  }
0x2d: {  	s3 =	simm.s32 $0x108;
	s8 =	sld [smem:$0x3FB2]  }
0x2e: {  	s3 =	simm.s32 @!p0 $0x1082;
	s9 =	sld [smem:$0x3FB3]  }
0x2f: {  	lr =	sadd.s32 s0, s3;
	s0 =	sld [smem:$0x3FAA]  }
0x30: {  	s3 =	sld [smem:$0x3FAD]  }
0x31: {  	[smem:$0x3FB6] =	sst s10  }
0x32: {  	s10 =	sld [smem:$0x3FB4];
	_ =	sdelay $0x3  }
0x33: {  	p0 =	seq.s32 s10, $0x1;
	s10 =	sld [smem:$0x3FB6];
	_ =	sdelay $0x3  }
0x34: {  	[smem:$0x3FB6] =	sst s10  }
0x35: {  	s10 =	sld [smem:$0x3FB5];
	_ =	sdelay $0x3  }
0x36: {  	p1 =	seq.s32 s10, $0x1;
	s10 =	sld [smem:$0x3FB6];
	_ =	sdelay $0x3  }
0x37: {  	[smem:$0x3FB6] =	sst s10  }
0x38: {  	s10 =	sld [smem:$0x3FB7]  }
0x39: {  	_ = 	snop;
	(pc) =	sbr.ind lr, $3  }
0x3a: {  	_ = 	snop  }
0x3b: {  	_ = 	snop  }
0x3c: {  	p2 =	seq.s32 s10, $0x1;
	s10 =	sld [smem:$0x3FB6]  }
0x3d: {  	_ =	shalt  }
0x3e: {  	_ =	shalt  }
0x3f: {  	_ =	shalt  }
0x40: {  	_ =	shalt  }
0x41: {  	_ =	shalt  }
0x42: {  	_ =	shalt  }
0x43: {  	_ =	shalt  }
0x44: {  	_ =	shalt  }
0x45: {  	_ =	shalt  }
0x46: {  	_ =	shalt  }
0x47: {  	_ =	shalt  }
0x48: {  	_ =	shalt  }
0x49: {  	_ =	shalt  }
0x4a: {  	_ =	shalt  }
0x4b: {  	_ =	shalt  }
0x4c: {  	_ =	shalt  }
0x4d: {  	_ =	shalt  }
0x4e: {  	_ =	shalt  }
0x4f: {  	_ =	shalt  }
0x50: {  	_ =	shalt  }
0x51: {  	_ =	shalt  }
0x52: {  	_ =	shalt  }
0x53: {  	_ =	shalt  }
0x54: {  	_ =	shalt  }
0x55: {  	_ =	shalt  }
0x56: {  	_ =	shalt  }
0x57: {  	_ =	shalt  }
0x58: {  	_ =	shalt  }
0x59: {  	_ =	shalt  }
0x5a: {  	_ =	shalt  }
0x5b: {  	_ =	shalt  }
0x5c: {  	_ =	shalt  }
0x5d: {  	_ =	shalt  }
0x5e: {  	_ =	shalt  }
0x5f: {  	_ =	shalt  }
0x60: {  	_ =	shalt  }
0x61: {  	_ =	shalt  }
0x62: {  	_ =	shalt  }
0x63: {  	_ =	shalt  }
0x64: {  	_ =	shalt  }
0x65: {  	_ =	shalt  }
0x66: {  	_ =	shalt  }
0x67: {  	_ =	shalt  }
0x68: {  	_ =	shalt  }
0x69: {  	_ =	shalt  }
0x6a: {  	_ =	shalt  }
0x6b: {  	_ =	shalt  }
0x6c: {  	_ =	shalt  }
0x6d: {  	_ =	shalt  }
0x6e: {  	_ =	shalt  }
0x6f: {  	_ =	shalt  }
0x70: {  	_ =	shalt  }
0x71: {  	_ =	shalt  }
0x72: {  	_ =	shalt  }
0x73: {  	_ =	shalt  }
0x74: {  	_ =	shalt  }
0x75: {  	_ =	shalt  }
0x76: {  	_ =	shalt  }
0x77: {  	_ =	shalt  }
0x78: {  	_ =	shalt  }
0x79: {  	_ =	shalt  }
0x7a: {  	_ =	shalt  }
0x7b: {  	_ =	shalt  }
0x7c: {  	_ =	shalt  }
0x7d: {  	_ =	shalt  }
0x7e: {  	_ =	shalt  }
0x7f: {  	_ =	shalt  }
0x80: {  	_ =	shalt  }
0x81: {  	_ =	shalt  }
0x82: {  	_ =	shalt  }
0x83: {  	_ =	shalt  }
0x84: {  	_ =	shalt  }
0x85: {  	_ =	shalt  }
0x86: {  	_ =	shalt  }
0x87: {  	_ =	shalt  }
.Lfunc_end0:
.L_simem_size_0:
called_computation.1_lowered:
.L_overlay_start_0:
0x88: {  	s2 =	sld [smem:$0x3FD9]  }
0x89: {  	s3 =	sld [smem:$0x3FFE];
	_ =	sdelay $0x1  }
0x8a: {  	s1 =	srdreg.scid  }
0x8b: {  	s0 =	sand.u32 $0x1, s1  }
0x8c: {  	s17 =	sshll.u32 s0, $0xA;
	s2 =	sadd.s32 s3, s2  }
0x8d: {  	s2 =	sadd.s32 s2, s17  }
0x8e: {  	[smem:$0x3FC2] =	sst s2  }
0x8f: {  	_ = 	snop  }
0x90: {  	s2 =	sld [smem:$0x3FC8]  }
0x91: {  	s18 =	sld [smem:$0x3FD0];
	(tm) =	ssettm $0x1  }
0x92: {  	s4 =	sld [smem:$0x3FFB];
	_ =	sdelay $0x3  }
0x93: {  	_ =	strace s4  }
0x94: {  	s4 =	sld [smem:$0x3FFC];
	_ =	sdelay $0x3  }
0x95: {  	_ =	strace s4  }
0x96: {  	s4 =	sld [smem:$0x3FFD];
	_ =	sdelay $0x3  }
0x97: {  	_ =	strace s4  }
0x98: {  	_ =	strace $0x8FFFFFFF  }
0x99: {  	s19 =	sld [smem:$0x3FDB];
	_ =	sdelay $0x1  }
0x9a: {  	s5 =	simm.s32 $_scs_section_size  }
0x9b: {  	s6 =	simm.s32 $_size__tile_overlayer_lowered;
	s7 =	simm.s32 $_tile_overlayer_lowered  }
0x9c: {  	s22 =	simm.s32 $0x1BFF;
	s21 =	sshll.u32 s7, $0x1;
	s4 =	sadd.s32 s5, s19  }
0x9d: {  	s8 =	simm.s32 $0x0;
	s20 =	sshll.u32 s6, $0x1;
	s6 =	sadd.s32 s21, s4  }
0x9e: {  	[timem:s8], [sflag:s22] =	dma.local [hbm:s6], s20  }
0x9f: {  	_ =	swait.ge [sflag:s22], s20  }
0xa0: {  	s5 =	ssub.s32 $0x0, s20;
	[sflag:s22] =	ssyncset.done $0x0  }
0xa1: {  	[sflag:s22] =	ssyncadd.s32 s5;
	_ =	sdelay $0x1  }
0xa2: {  	s23 =	simm.s32 $0x1B8B  }
0xa3: {  	_ =	swait.ge [sflag:s23], $0x1  }
0xa4: {  	[sflag:s23] =	ssyncset.done $0x0  }
0xa5: {  	s25 =	simm.s32 $0x1B8E;
	s24 =	sld [smem:$0x3FFE];
	[sflag:s23] =	ssyncadd.s32 $0xFFFFFFFF  }
0xa6: {  	s26 =	simm.s32 $execute0_lowered;
	[smem:$0x3FD2] =	sst s25  }
0xa7: {  	s6 =	sshll.u32 s26, $0x1;
	_ =	strace $0x80000049;
	[dreg:$0x1] =	wrdreg $0xFFFFFFFF  }
0xa8: {  	s28 =	simm.s32 $_size_execute0_lowered;
	s4 =	sadd.s32 s4, s6;
	[dreg:$0x0] =	wrdreg $0x0  }
0xa9: {  	s6 =	sshll.u32 s28, $0x1;
	[dreg:$0x2] =	wrdreg s4  }
0xaa: {  	[dreg:$0x3] =	wrdreg s6  }
0xab: {  	[dreg:$0x4] =	wrdreg $0xC0  }
0xac: {  	_ =	task [dreg:s8], $0x5FFFF  }
0xad: {  	[dreg:$0x1] =	wrdreg $0xFFFFFFFF  }
0xae: {  	[dreg:$0x0] =	wrdreg $0x60  }
0xaf: {  	[dreg:$0x2] =	wrdreg s18  }
0xb0: {  	[dreg:$0x3] =	wrdreg s2  }
0xb1: {  	[dreg:$0x4] =	wrdreg s24  }
0xb2: {  	[dreg:$0x5] =	wrdreg $0x0  }
0xb3: {  	[dreg:$0x6] =	wrdreg $0x9  }
0xb4: {  	_ =	task.clear_ibuf [dreg:s8], $0x7FFFF;
	_ =	strace $0x90000049  }
0xb5: {  	s29 =	simm.s32 $0x9;
	_ =	strace $0x8000004B  }
0xb6: {  	_ =	swait.ge [sflag:s29], $0x1  }
0xb7: {  	[sflag:s29] =	ssyncadd.s32 $0xFFFFFFFF  }
0xb8: {  	_ =	strace $0x9000004B  }
0xb9: {  	_ =	sfence  }
0xba: {  	s30 =	sld [smem:$0x0];
	_ =	sdelay $0x2  }
0xbb: {  	s31 =	sshll.u32 s1, $0xD;
	s1 =	sshrl.u32 s1, $0x2  }
0xbc: {  	s3 =	sand.u32 $0x4000, s31;
	s1 =	sadd.s32 s1, s30  }
0xbd: {  	s0 =	sor.u32 s3, s0;
	s1 =	sshll.u32 s1, $0x11  }
0xbe: {  	s0 =	sor.u32 s1, s0  }
0xbf: {  	s0 =	sadd.s32 $0x8F2B, s0  }
0xc0: {  	[sflag:s0] =	ssyncadd.remote.s32 $0x1  }
0xc1: {  	_ =	sfence.sel $0xFFFF  }
0xc2: {  	[dreg:$0x0] =	wrdreg $0xFFFFFFFF;
	(pc) =	sbr.abs _section_cstart, $3  }
0xc3: {  	[dreg:$0x1] =	wrdreg $0xFFFFFFFF  }
0xc4: {  	_ =	task.clear_ibuf [dreg:s8], $0x2FFFF;
	_ =	strace $0x9FFFFFFF  }
0xc5: {  	(tm) =	ssettm $0x7FFFFFFF  }
tec
execute0_lowered:
.L_overlay_start_1:
0x0: {  	(tag) =	ssettag $0x1  }
0x1: {  	s1 =	rddreg [dreg:$0x0]  }
0x2: {  	s8 =	rddreg [dreg:$0x1]  }
0x3: {  	s6 =	rddreg [dreg:$0x2]  }
0x4: {  	s2 =	rddreg [dreg:$0x3]  }
0x5: {  	s0 =	rddreg [dreg:$0x4];
	s3 =	simm.s32 $0x0;
	s4 =	srdreg.scid  }
0x6: {  	s16 =	simm.s32 $0x14200;
	s17 =	simm.s32 $0x14100;
	s18 =	simm.s32 $0x4  }
0x7: {  	s19 =	simm.s32 $0x18200;
	s20 =	simm.s32 $0x1;
	s21 =	simm.s32 $0x14080  }
0x8: {  	s22 =	simm.s32 $0x2;
	s23 =	simm.s32 $0x14180;
	s24 =	simm.s32 $0x0  }
0x9: {  	[smem:$0x7FF] =	sst s3;
	s7 =	sand.u32 $0x1, s4;
	s5 =	sadd.s32 $0x3400, s6  }
0xa: {  	s4 =	stileid.u32;
	s10 =	sadd.s32 $0x5C00, s6;
	s13 =	sadd.s32 $0x2DC00, s6  }
0xb: {  	s6 =	simm.s32 $0x4F;
	_ =	strace $0x8000004A;
	s9 =	ssub.s32 $0x2, s7  }
0xc: {  	s12 =	smul.u32 $0x50000, s4;
	p0 =	slt.u32 s4, $0x2;
	s11 =	sshrl.u32 s9, $0x1  }
0xd: {  	s29 =	smin.u32 s4, $0x2;
	s9 =	ssub.s32 s9, s11;
	s11 =	smul.u32 $0x4E, s4  }
0xe: {  	s30 =	sshll.u32 s4, $0x6;
	s15 =	smul.u32 $0x2800, s4;
	s6 =	simm.s32 @!p0 $0x4E  }
0xf: {  	p0 =	seq.s32 s7, $0x0;
	s7 =	sor.u32 $0x1C03, s30;
	s14 =	sadd.s32 $0x4E2, s11  }
0x10: {  	s12 =	sshrl.u32 s12, $0x2;
	s13 =	smov.u32 @p0 s10;
	s14 =	smov.u32 @p0 s11  }
0x11: {  	s12 =	sadd.s32 s12, s2;
	s9 =	smax.u32 s9, $0x1;
	s14 =	sadd.s32 s29, s14  }
0x12: {  	s10 =	sadd.s32 s13, s15;
	s13 =	simm.s32 $0x3;
	s31 =	sshll.u32 s14, $0x5  }
0x13: {  	s15 =	simm.s32 $0x80;
	s12 =	sshrl.u32 s12, $0x3;
	s8 =	sadd.s32 s8, s31  }
0x14: {  	p0 =	sgt.u32 s4, $0x1;
	s14 =	simm.s32 $0x14000;
	s11 =	sadd.s32 $0x20, s8  }
.LBB2_1:
0x15: {  	[spmem:s12], [sflag:s7] =	dma.local [hbm:s5], $0x2800  }
0x16: {  	_ =	swait.ge [sflag:s13], $0x2800  }
0x17: {  	[sflag:s13] =	ssyncset.done $0x0  }
0x18: {  	[sflag:s13] =	ssyncadd.s32 $0xFFFFD800  }
0x19: {  	[bflag:$0x0] =	sbarrier.arrive $0xFFFF  }
0x1a: {  	[tilespmem:s14], [sflag:$0x3] =	stream.linear.gather [hbm4b:s8+s3], $0x100, $0x38;
	[tilespmem:$0x1C200] =	vst v63  }
0x1b: {  	_ =	swait.ge [sflag:s13], $0x100  }
0x1c: {  	[sflag:s13] =	ssyncset.done $0x0  }
0x1d: {  	[sflag:s13] =	ssyncadd.s32 $0xFFFFFF00  }
0x1e: {  	[tilespmem:s16], [sflag:$0x1] =	stream.indirect.gather [hbm4b:s1+s15], $0x80, s14, s15, $0xb8;
	[tilespmem:$0x1C200] =	vst v63  }
0x1f: {  	_ = 	snop  }
0x20: {  	[tilespmem:s17], [sflag:$0x4] =	stream.linear.gather [hbm4b:s11+s3], $0x100, $0x38;
	[tilespmem:$0x1C200] =	vst v63  }
0x21: {  	_ =	swait.ge [sflag:s18], $0x100  }
0x22: {  	[sflag:s18] =	ssyncset.done $0x0  }
0x23: {  	[sflag:s18] =	ssyncadd.s32 $0xFFFFFF00  }
0x24: {  	[tilespmem:s19], [sflag:$0x2] =	stream.indirect.gather [hbm4b:s1+s15], $0x80, s17, s15, $0xb8;
	[tilespmem:$0x1C200] =	vst v63  }
0x25: {  	_ =	swait.ge [sflag:s20], $0x4000  }
0x26: {  	[sflag:s20] =	ssyncset.done $0x0  }
0x27: {  	[sflag:s20] =	ssyncadd.s32 $0xFFFFC000  }
0x28: {  	[spmem:s2] =	stream.indirect.scatter.add.f32 [tilespmem:s16], [sflag:$0x4], $0x80, s21, s15, $0xb8;
	[tilespmem:$0x1C200] =	vst v63  }
0x29: {  	p1 =	sle.u32 s6, $0x2;
	_ =	swait.ge [sflag:s18], $0x4000  }
0x2a: {  	s25 =	sadd.s32 @!p1 $0x20, s11;
	s26 =	simm.s32 @!p1 $0x0;
	[sflag:s18] =	ssyncset.done $0x0  }
0x2b: {  	s28 =	simm.s32 @!p1 $0x14000;
	s29 =	simm.s32 @!p1 $0x4;
	[sflag:s18] =	ssyncadd.s32 $0xFFFFC000  }
0x2c: {  	[tilespmem:s28], [sflag:$0x4] =	stream.linear.gather @!p1 [hbm4b:s25+s26], $0x100, $0x38;
	[tilespmem:$0x1C200] =	vst v63  }
0x2d: {  	_ =	swait.ge @!p1 [sflag:s29], $0x100  }
0x2e: {  	[sflag:s29] =	ssyncset.done @!p1 $0x0  }
0x2f: {  	s25 =	simm.s32 @!p1 $0x80;
	s26 =	simm.s32 @!p1 $0x14200;
	[sflag:s29] =	ssyncadd.s32 @!p1 $0xFFFFFF00  }
0x30: {  	[tilespmem:s26], [sflag:$0x1] =	stream.indirect.gather @!p1 [hbm4b:s1+s25], $0x80, s28, s25, $0xb8;
	[tilespmem:$0x1C200] =	vst v63  }
0x31: {  	_ =	swait.ge [sflag:s22], $0x4000  }
0x32: {  	[sflag:s22] =	ssyncset.done $0x0  }
0x33: {  	[sflag:s22] =	ssyncadd.s32 $0xFFFFC000  }
0x34: {  	[spmem:s2] =	stream.indirect.scatter.add.f32 [tilespmem:s19], [sflag:$0x3], $0x80, s23, s15, $0xb8;
	[tilespmem:$0x1C200] =	vst v63  }
0x35: {  	s25 =	simm.s32 $0x4;
	s26 =	smov.u32 s11;
	_ =	swait.ge [sflag:s13], $0x4000  }
.LBB2_2:
0x36: {  	[sflag:s13] =	ssyncset.done $0x0  }
0x37: {  	s26 =	sadd.s32 $0x40, s26;
	s28 =	smov.u32 s25;
	s25 =	sadd.s32 $0x2, s25  }
0x38: {  	p1 =	sne.s32 s25, $0x50;
	[sflag:s13] =	ssyncadd.s32 $0xFFFFC000  }
0x39: {  	[tilespmem:s17], [sflag:$0x4] =	stream.linear.gather [hbm4b:s26+s3], $0x100, $0x38;
	[tilespmem:$0x1C200] =	vst v63  }
0x3a: {  	_ =	swait.ge [sflag:s18], $0x100  }
0x3b: {  	[sflag:s18] =	ssyncset.done $0x0  }
0x3c: {  	[sflag:s18] =	ssyncadd.s32 $0xFFFFFF00  }
0x3d: {  	[tilespmem:s19], [sflag:$0x2] =	stream.indirect.gather [hbm4b:s1+s15], $0x80, s17, s15, $0xb8;
	[tilespmem:$0x1C200] =	vst v63  }
0x3e: {  	_ =	swait.ge [sflag:s20], $0x4000  }
0x3f: {  	[sflag:s20] =	ssyncset.done $0x0  }
0x40: {  	[sflag:s20] =	ssyncadd.s32 $0xFFFFC000  }
0x41: {  	[spmem:s2] =	stream.indirect.scatter.add.f32 [tilespmem:s16], [sflag:$0x4], $0x80, s21, s15, $0xb8;
	[tilespmem:$0x1C200] =	vst v63  }
0x42: {  	p2 =	sge.u32 s28, s6;
	_ =	swait.ge [sflag:s18], $0x4000  }
0x43: {  	s28 =	sadd.s32 @!p2 $0x20, s26;
	s29 =	simm.s32 @!p2 $0x0;
	[sflag:s18] =	ssyncset.done $0x0  }
0x44: {  	s30 =	simm.s32 @!p2 $0x14000;
	s31 =	simm.s32 @!p2 $0x4;
	[sflag:s18] =	ssyncadd.s32 $0xFFFFC000  }
0x45: {  	[tilespmem:s30], [sflag:$0x4] =	stream.linear.gather @!p2 [hbm4b:s28+s29], $0x100, $0x38;
	[tilespmem:$0x1C200] =	vst v63  }
0x46: {  	_ =	swait.ge @!p2 [sflag:s31], $0x100  }
0x47: {  	s28 =	simm.s32 @!p2 $0x80;
	s29 =	simm.s32 @!p2 $0x14200;
	[sflag:s31] =	ssyncset.done @!p2 $0x0  }
0x48: {  	[sflag:s31] =	ssyncadd.s32 @!p2 $0xFFFFFF00  }
0x49: {  	[tilespmem:s29], [sflag:$0x1] =	stream.indirect.gather @!p2 [hbm4b:s1+s28], $0x80, s30, s28, $0xb8;
	[tilespmem:$0x1C200] =	vst v63  }
.Ltmp0:
0x4a: {  	_ =	swait.ge [sflag:s22], $0x4000;
	(pc) =	sbr.rel @p1 .LBB2_2-.Ltmp0, $4  }
0x4b: {  	[sflag:s22] =	ssyncset.done $0x0  }
0x4c: {  	[sflag:s22] =	ssyncadd.s32 $0xFFFFC000  }
0x4d: {  	[spmem:s2] =	stream.indirect.scatter.add.f32 [tilespmem:s19], [sflag:$0x3], $0x80, s23, s15, $0xb8;
	[tilespmem:$0x1C200] =	vst v63  }
0x4e: {  	_ =	swait.ge [sflag:s13], $0x4000  }
0x4f: {  	[sflag:s13] =	ssyncset.done $0x0  }
0x50: {  	s25 =	simm.s32 @!p0 $0x1;
	[sflag:s13] =	ssyncadd.s32 $0xFFFFC000  }
0x51: {  	_ =	swait.ge @!p0 [sflag:s25], $0x4000  }
0x52: {  	s26 =	simm.s32 @!p0 $0x14080;
	[sflag:s25] =	ssyncset.done @!p0 $0x0  }
0x53: {  	s28 =	simm.s32 @!p0 $0x14200;
	[sflag:s25] =	ssyncadd.s32 @!p0 $0xFFFFC000;
	s25 =	simm.s32 @!p0 $0x80  }
0x54: {  	[spmem:s2] =	stream.indirect.scatter.add.f32 @!p0 [tilespmem:s28], [sflag:$0x4], $0x80, s26, s25, $0xb8;
	[tilespmem:$0x1C200] =	vst v63  }
0x55: {  	s25 =	simm.s32 @!p0 $0x4  }
0x56: {  	_ =	swait.ge @!p0 [sflag:s25], $0x4000  }
0x57: {  	s24 =	sadd.s32 $0x1, s24;
	[sflag:s25] =	ssyncset.done @!p0 $0x0  }
0x58: {  	p1 =	sne.s32 s24, s9;
	[sflag:s25] =	ssyncadd.s32 @!p0 $0xFFFFC000  }
.Ltmp1:
0x59: {  	[bflag:$0x0] =	sbarrier.arrive $0xFFFF;
	(pc) =	sbr.rel @p1 .LBB2_1-.Ltmp1, $4  }
0x5a: {  	[hbm:s10], [sflag:s7] =	dma.local [spmem:s12], $0x2800  }
0x5b: {  	_ =	swait.ge [sflag:s13], $0x2800  }
0x5c: {  	[sflag:s13] =	ssyncset.done $0x0  }
0x5d: {  	[sflag:s13] =	ssyncadd.s32 $0xFFFFD800  }
0x5e: {  	_ =	sfence.sel $0x180000  }
0x5f: {  	[bflag:$0x0] =	sbarrier.arrive $0xFFFF  }
0x60: {  	p0 =	sne.s32 s4, $0x0;
	_ =	strace $0x9000004A  }
0x61: {  	s0 =	sadd.s32 @!p0 $0x100000, s0;
	[bflag:$0x2] =	sbarrier.arrive $0xFFFF  }
0x62: {  	[sflag:s0] =	ssyncadd.tile.s32 @!p0 $0x1;
	_ =	shalt  }
.Lfunc_end2:
_tile_overlayer_lowered:
.L_overlay_start_2:
0x63: {  	(tag) =	ssettag $0x2  }
0x64: {  	s0 =	rddreg [dreg:$0x0];
	s2 =	stileid.u32  }
0x65: {  	s1 =	rddreg [dreg:$0x1];
	p0 =	sne.s32 s2, $0x0  }
0x66: {  	s3 =	rddreg [dreg:$0x2];
	[bflag:$0x3] =	sbarrier.arrive $0xFFFF;
	s2 =	simm.s32 @!p0 $0x1C03  }
0x67: {  	[timem:s3], [sflag:s2] =	dma.local @!p0 [hbm:s0], s1  }
0x68: {  	s0 =	simm.s32 @!p0 $0x3  }
0x69: {  	_ =	swait.ge @!p0 [sflag:s0], s1  }
0x6a: {  	s1 =	ssub.s32 @!p0 $0x0, s1;
	[sflag:s0] =	ssyncset.done @!p0 $0x0  }
0x6b: {  	[sflag:s0] =	ssyncadd.s32 @!p0 s1  }
0x6c: {  	[bflag:$0x3] =	sbarrier.arrive $0xFFFF  }
0x6d: {  	_ =	shalt  }

</sc_bundles>
